<compile_context>
chip_gen: v7x
topology: tpu7x:2x2x1
jax: 0.10.2.dev20260603
libtpu: 0.0.44.dev20260713+nightly
codegen_flags: <defaults>
</compile_context>

<pallas_src>
import functools

import jax
import jax.numpy as jnp
from jax import lax
from jax.experimental import pallas as pl
from jax.experimental.pallas import tpu as pltpu
from jax.experimental.pallas import tpu_sc as plsc

_L = 16
_NQ = 4


@functools.lru_cache(maxsize=None)
def _build(n: int, num_elements: int):
    info = plsc.get_sparse_core_info()
    nc, ns = info.num_cores, info.num_subcores
    nw = nc * ns

    q = _L * _NQ
    chunk = ((n + nw - 1) // nw + q - 1) // q * q
    quarter = chunk // _NQ
    assert n >= chunk and n % 8 == 0 and quarter % _L == 0

    mesh = plsc.VectorSubcoreMesh(core_axis_name="c", subcore_axis_name="s")

    @functools.partial(
        pl.kernel,
        mesh=mesh,
        compiler_params=pltpu.CompilerParams(needs_layout_passes=False),
        out_type=jax.ShapeDtypeStruct((n,), jnp.float32),
        scratch_types=[
            pltpu.VMEM((num_elements,), jnp.float32),
            pltpu.VMEM((chunk,), jnp.int32),
            pltpu.VMEM((chunk,), jnp.float32),
            pltpu.VMEM((chunk,), jnp.float32),
        ] + [pltpu.SemaphoreType.DMA] * _NQ
          + [pltpu.SemaphoreType.DMA],
    )
    def sc_kernel(le_hbm, an_hbm, tab_hbm, out_hbm,
                  tab_v, idx_v, le_v, out_v, *sems):
        in_sems, out_sem = sems[:_NQ], sems[_NQ]
        wid = lax.axis_index("s") * nc + lax.axis_index("c")
        base = jnp.minimum(wid * chunk, n - chunk)

        ct = pltpu.async_copy(tab_hbm, tab_v, in_sems[0])
        copies = []
        for k in range(_NQ):
            o = k * quarter
            copies.append((
                pltpu.async_copy(an_hbm.at[pl.ds(base + o, quarter)],
                                 idx_v.at[pl.ds(o, quarter)], in_sems[k]),
                pltpu.async_copy(le_hbm.at[pl.ds(base + o, quarter)],
                                 le_v.at[pl.ds(o, quarter)], in_sems[k]),
            ))

        outs = []
        for k in range(_NQ):
            o = k * quarter
            if k == 0:
                ct.wait()
            ci, cl = copies[k]
            ci.wait()
            cl.wait()

            @plsc.parallel_loop(o, o + quarter, step=_L, unroll=8)
            def _(i):
                s = pl.ds(i, _L)
                out_v[s] = plsc.load_gather(tab_v, [idx_v[s]]) * le_v[s]

            outs.append(pltpu.async_copy(
                out_v.at[pl.ds(o, quarter)],
                out_hbm.at[pl.ds(base + o, quarter)], out_sem))

        for c in outs:
            c.wait()

    return sc_kernel


def kernel(local_energies, atomic_numbers, per_element_scaling):
    n = local_energies.shape[0]
    table = per_element_scaling.reshape(-1).astype(jnp.float32)
    idx = atomic_numbers.astype(jnp.int32)
    fn = _build(n, table.shape[0])
    return fn(local_energies.astype(jnp.float32), idx, table)

# --- scband reference (transcript-rebuilt; emitter-appended) ---
"""Pipeline reference for scband-local-energies-scaler-27573690040900 (READ-ONLY COPY).

The authoritative reference and input builder live on the scoring server;
editing this copy changes nothing except your own understanding.
"""

import jax, jax.numpy as jnp
import numpy as np

NUM_ELEMENTS = 119
N_ATOMS = 100000

def setup_inputs(seed: int = 0) -> dict:
    key = jax.random.key(seed)
    k1, k2, k3 = jax.random.split(key, 3)
    local_energies = jax.random.normal(k1, (N_ATOMS,), dtype=jnp.float32)
    atomic_numbers = jax.random.randint(k2, (N_ATOMS,), 0, NUM_ELEMENTS, dtype=jnp.int64)
    # per-element scaling parameter, default value 1.0, shape [NUM_ELEMENTS, 1]
    per_element_scaling = jnp.ones((NUM_ELEMENTS, 1), dtype=jnp.float32)
    return {"local_energies": local_energies, "atomic_numbers": atomic_numbers, "per_element_scaling": per_element_scaling}

def reference(local_energies, atomic_numbers, per_element_scaling):
    # scales = self.per_element_scaling[graph[ATOMIC_NUMBERS]].squeeze()
    scales = jnp.take(per_element_scaling, atomic_numbers, axis=0).squeeze()
    return local_energies * scales

if __name__ == "__main__":
    import jax
    _d = setup_inputs()
    print(jax.jit(kernel)(*tuple(_d.values())))

</pallas_src>

<mosaic_0001>
#map = affine_map<(d0, d1) -> (0)>
module attributes {stable_mosaic.version = 14 : i64} {
  func.func @sc_kernel(%arg0: i32, %arg1: i32, %arg2: memref<100000xf32, #tpu.memory_space<hbm>>, %arg3: memref<100000xi32, #tpu.memory_space<hbm>>, %arg4: memref<119xf32, #tpu.memory_space<hbm>>, %arg5: memref<100000xf32, #tpu.memory_space<hbm>>, %arg6: memref<119xf32, #tpu.memory_space<vmem>>, %arg7: memref<3136xi32, #tpu.memory_space<vmem>>, %arg8: memref<3136xf32, #tpu.memory_space<vmem>>, %arg9: memref<3136xf32, #tpu.memory_space<vmem>>, %arg10: memref<!tpu.dma_semaphore, #tpu.memory_space<semaphore_mem>>, %arg11: memref<!tpu.dma_semaphore, #tpu.memory_space<semaphore_mem>>, %arg12: memref<!tpu.dma_semaphore, #tpu.memory_space<semaphore_mem>>, %arg13: memref<!tpu.dma_semaphore, #tpu.memory_space<semaphore_mem>>, %arg14: memref<!tpu.dma_semaphore, #tpu.memory_space<semaphore_mem>>) attributes {dimension_semantics = [#tpu.dimension_semantics<core_parallel>, #tpu.dimension_semantics<subcore_parallel>], iteration_bounds = array<i64: 2, 16>, scalar_prefetch = 0 : i64, scratch_operands = 9 : i64, tpu.core_type = #tpu.core_type<sc_vector_subcore>, window_params = [{transform_indices = #map}, {transform_indices = #map}, {transform_indices = #map}, {transform_indices = #map}]} {
    %mul3A = arith.constant 2 : i32
    %mul3A_0 = arith.muli %arg1, %mul3A : i32
    %add3A = arith.addi %mul3A_0, %arg0 : i32
    %mul3A_1 = arith.constant 3136 : i32
    %mul3A_2 = arith.muli %add3A, %mul3A_1 : i32
    %min3A = arith.constant 96864 : i32
    %min3A_3 = arith.minsi %mul3A_2, %min3A : i32
    tpu.enqueue_dma source(%arg4 : memref<119xf32, #tpu.memory_space<hbm>>) target(%arg6 : memref<119xf32, #tpu.memory_space<vmem>>) target_semaphore(%arg10 : memref<!tpu.dma_semaphore, #tpu.memory_space<semaphore_mem>>)
    %add3A_4 = arith.constant 0 : i32
    %add3A_5 = arith.addi %min3A_3, %add3A_4 : i32
    %dma_start3A = arith.constant 0 : i32
    %dma_start3A_6 = tpu.memref_slice %arg7[%dma_start3A] : memref<3136xi32, #tpu.memory_space<vmem>> -> memref<784xi32, #tpu.memory_space<vmem>>
    %dma_start3A_7 = tpu.memref_slice %arg3[%add3A_5] : memref<100000xi32, #tpu.memory_space<hbm>> -> memref<784xi32, #tpu.memory_space<hbm>>
    %dma_start3A_8 = arith.constant 0 : i32
    %dma_start3A_9 = tpu.memref_slice %arg7[%dma_start3A_8] : memref<3136xi32, #tpu.memory_space<vmem>> -> memref<784xi32, #tpu.memory_space<vmem>>
    %dma_start3A_10 = tpu.memref_slice %arg3[%add3A_5] : memref<100000xi32, #tpu.memory_space<hbm>> -> memref<784xi32, #tpu.memory_space<hbm>>
    tpu.enqueue_dma source(%dma_start3A_10 : memref<784xi32, #tpu.memory_space<hbm>>) target(%dma_start3A_9 : memref<784xi32, #tpu.memory_space<vmem>>) target_semaphore(%arg10 : memref<!tpu.dma_semaphore, #tpu.memory_space<semaphore_mem>>)
    %add3A_11 = arith.constant 0 : i32
    %add3A_12 = arith.addi %min3A_3, %add3A_11 : i32
    %dma_start3A_13 = arith.constant 0 : i32
    %dma_start3A_14 = tpu.memref_slice %arg8[%dma_start3A_13] : memref<3136xf32, #tpu.memory_space<vmem>> -> memref<784xf32, #tpu.memory_space<vmem>>
    %dma_start3A_15 = tpu.memref_slice %arg2[%add3A_12] : memref<100000xf32, #tpu.memory_space<hbm>> -> memref<784xf32, #tpu.memory_space<hbm>>
    %dma_start3A_16 = arith.constant 0 : i32
    %dma_start3A_17 = tpu.memref_slice %arg8[%dma_start3A_16] : memref<3136xf32, #tpu.memory_space<vmem>> -> memref<784xf32, #tpu.memory_space<vmem>>
    %dma_start3A_18 = tpu.memref_slice %arg2[%add3A_12] : memref<100000xf32, #tpu.memory_space<hbm>> -> memref<784xf32, #tpu.memory_space<hbm>>
    tpu.enqueue_dma source(%dma_start3A_18 : memref<784xf32, #tpu.memory_space<hbm>>) target(%dma_start3A_17 : memref<784xf32, #tpu.memory_space<vmem>>) target_semaphore(%arg10 : memref<!tpu.dma_semaphore, #tpu.memory_space<semaphore_mem>>)
    %add3A_19 = arith.constant 784 : i32
    %add3A_20 = arith.addi %min3A_3, %add3A_19 : i32
    %dma_start3A_21 = arith.constant 784 : i32
    %dma_start3A_22 = tpu.memref_slice %arg7[%dma_start3A_21] : memref<3136xi32, #tpu.memory_space<vmem>> -> memref<784xi32, #tpu.memory_space<vmem>>
    %dma_start3A_23 = tpu.memref_slice %arg3[%add3A_20] : memref<100000xi32, #tpu.memory_space<hbm>> -> memref<784xi32, #tpu.memory_space<hbm>>
    %dma_start3A_24 = arith.constant 784 : i32
    %dma_start3A_25 = tpu.memref_slice %arg7[%dma_start3A_24] : memref<3136xi32, #tpu.memory_space<vmem>> -> memref<784xi32, #tpu.memory_space<vmem>>
    %dma_start3A_26 = tpu.memref_slice %arg3[%add3A_20] : memref<100000xi32, #tpu.memory_space<hbm>> -> memref<784xi32, #tpu.memory_space<hbm>>
    tpu.enqueue_dma source(%dma_start3A_26 : memref<784xi32, #tpu.memory_space<hbm>>) target(%dma_start3A_25 : memref<784xi32, #tpu.memory_space<vmem>>) target_semaphore(%arg11 : memref<!tpu.dma_semaphore, #tpu.memory_space<semaphore_mem>>)
    %add3A_27 = arith.constant 784 : i32
    %add3A_28 = arith.addi %min3A_3, %add3A_27 : i32
    %dma_start3A_29 = arith.constant 784 : i32
    %dma_start3A_30 = tpu.memref_slice %arg8[%dma_start3A_29] : memref<3136xf32, #tpu.memory_space<vmem>> -> memref<784xf32, #tpu.memory_space<vmem>>
    %dma_start3A_31 = tpu.memref_slice %arg2[%add3A_28] : memref<100000xf32, #tpu.memory_space<hbm>> -> memref<784xf32, #tpu.memory_space<hbm>>
    %dma_start3A_32 = arith.constant 784 : i32
    %dma_start3A_33 = tpu.memref_slice %arg8[%dma_start3A_32] : memref<3136xf32, #tpu.memory_space<vmem>> -> memref<784xf32, #tpu.memory_space<vmem>>
    %dma_start3A_34 = tpu.memref_slice %arg2[%add3A_28] : memref<100000xf32, #tpu.memory_space<hbm>> -> memref<784xf32, #tpu.memory_space<hbm>>
    tpu.enqueue_dma source(%dma_start3A_34 : memref<784xf32, #tpu.memory_space<hbm>>) target(%dma_start3A_33 : memref<784xf32, #tpu.memory_space<vmem>>) target_semaphore(%arg11 : memref<!tpu.dma_semaphore, #tpu.memory_space<semaphore_mem>>)
    %add3A_35 = arith.constant 1568 : i32
    %add3A_36 = arith.addi %min3A_3, %add3A_35 : i32
    %dma_start3A_37 = arith.constant 1568 : i32
    %dma_start3A_38 = tpu.memref_slice %arg7[%dma_start3A_37] : memref<3136xi32, #tpu.memory_space<vmem>> -> memref<784xi32, #tpu.memory_space<vmem>>
    %dma_start3A_39 = tpu.memref_slice %arg3[%add3A_36] : memref<100000xi32, #tpu.memory_space<hbm>> -> memref<784xi32, #tpu.memory_space<hbm>>
    %dma_start3A_40 = arith.constant 1568 : i32
    %dma_start3A_41 = tpu.memref_slice %arg7[%dma_start3A_40] : memref<3136xi32, #tpu.memory_space<vmem>> -> memref<784xi32, #tpu.memory_space<vmem>>
    %dma_start3A_42 = tpu.memref_slice %arg3[%add3A_36] : memref<100000xi32, #tpu.memory_space<hbm>> -> memref<784xi32, #tpu.memory_space<hbm>>
    tpu.enqueue_dma source(%dma_start3A_42 : memref<784xi32, #tpu.memory_space<hbm>>) target(%dma_start3A_41 : memref<784xi32, #tpu.memory_space<vmem>>) target_semaphore(%arg12 : memref<!tpu.dma_semaphore, #tpu.memory_space<semaphore_mem>>)
    %add3A_43 = arith.constant 1568 : i32
    %add3A_44 = arith.addi %min3A_3, %add3A_43 : i32
    %dma_start3A_45 = arith.constant 1568 : i32
    %dma_start3A_46 = tpu.memref_slice %arg8[%dma_start3A_45] : memref<3136xf32, #tpu.memory_space<vmem>> -> memref<784xf32, #tpu.memory_space<vmem>>
    %dma_start3A_47 = tpu.memref_slice %arg2[%add3A_44] : memref<100000xf32, #tpu.memory_space<hbm>> -> memref<784xf32, #tpu.memory_space<hbm>>
    %dma_start3A_48 = arith.constant 1568 : i32
    %dma_start3A_49 = tpu.memref_slice %arg8[%dma_start3A_48] : memref<3136xf32, #tpu.memory_space<vmem>> -> memref<784xf32, #tpu.memory_space<vmem>>
    %dma_start3A_50 = tpu.memref_slice %arg2[%add3A_44] : memref<100000xf32, #tpu.memory_space<hbm>> -> memref<784xf32, #tpu.memory_space<hbm>>
    tpu.enqueue_dma source(%dma_start3A_50 : memref<784xf32, #tpu.memory_space<hbm>>) target(%dma_start3A_49 : memref<784xf32, #tpu.memory_space<vmem>>) target_semaphore(%arg12 : memref<!tpu.dma_semaphore, #tpu.memory_space<semaphore_mem>>)
    %add3A_51 = arith.constant 2352 : i32
    %add3A_52 = arith.addi %min3A_3, %add3A_51 : i32
    %dma_start3A_53 = arith.constant 2352 : i32
    %dma_start3A_54 = tpu.memref_slice %arg7[%dma_start3A_53] : memref<3136xi32, #tpu.memory_space<vmem>> -> memref<784xi32, #tpu.memory_space<vmem>>
    %dma_start3A_55 = tpu.memref_slice %arg3[%add3A_52] : memref<100000xi32, #tpu.memory_space<hbm>> -> memref<784xi32, #tpu.memory_space<hbm>>
    %dma_start3A_56 = arith.constant 2352 : i32
    %dma_start3A_57 = tpu.memref_slice %arg7[%dma_start3A_56] : memref<3136xi32, #tpu.memory_space<vmem>> -> memref<784xi32, #tpu.memory_space<vmem>>
    %dma_start3A_58 = tpu.memref_slice %arg3[%add3A_52] : memref<100000xi32, #tpu.memory_space<hbm>> -> memref<784xi32, #tpu.memory_space<hbm>>
    tpu.enqueue_dma source(%dma_start3A_58 : memref<784xi32, #tpu.memory_space<hbm>>) target(%dma_start3A_57 : memref<784xi32, #tpu.memory_space<vmem>>) target_semaphore(%arg13 : memref<!tpu.dma_semaphore, #tpu.memory_space<semaphore_mem>>)
    %add3A_59 = arith.constant 2352 : i32
    %add3A_60 = arith.addi %min3A_3, %add3A_59 : i32
    %dma_start3A_61 = arith.constant 2352 : i32
    %dma_start3A_62 = tpu.memref_slice %arg8[%dma_start3A_61] : memref<3136xf32, #tpu.memory_space<vmem>> -> memref<784xf32, #tpu.memory_space<vmem>>
    %dma_start3A_63 = tpu.memref_slice %arg2[%add3A_60] : memref<100000xf32, #tpu.memory_space<hbm>> -> memref<784xf32, #tpu.memory_space<hbm>>
    %dma_start3A_64 = arith.constant 2352 : i32
    %dma_start3A_65 = tpu.memref_slice %arg8[%dma_start3A_64] : memref<3136xf32, #tpu.memory_space<vmem>> -> memref<784xf32, #tpu.memory_space<vmem>>
    %dma_start3A_66 = tpu.memref_slice %arg2[%add3A_60] : memref<100000xf32, #tpu.memory_space<hbm>> -> memref<784xf32, #tpu.memory_space<hbm>>
    tpu.enqueue_dma source(%dma_start3A_66 : memref<784xf32, #tpu.memory_space<hbm>>) target(%dma_start3A_65 : memref<784xf32, #tpu.memory_space<vmem>>) target_semaphore(%arg13 : memref<!tpu.dma_semaphore, #tpu.memory_space<semaphore_mem>>)
    tpu.wait_dma2 semaphore(%arg10 : memref<!tpu.dma_semaphore, #tpu.memory_space<semaphore_mem>>) src(%arg4 : memref<119xf32, #tpu.memory_space<hbm>>) dst(%arg6 : memref<119xf32, #tpu.memory_space<vmem>>)
    %dma_wait3A = arith.constant 0 : i32
    %dma_wait3A_67 = tpu.memref_slice %arg7[%dma_wait3A] : memref<3136xi32, #tpu.memory_space<vmem>> -> memref<784xi32, #tpu.memory_space<vmem>>
    %dma_wait3A_68 = tpu.memref_slice %arg3[%add3A_5] : memref<100000xi32, #tpu.memory_space<hbm>> -> memref<784xi32, #tpu.memory_space<hbm>>
    %dma_wait3A_69 = arith.constant 0 : i32
    %dma_wait3A_70 = tpu.memref_slice %arg7[%dma_wait3A_69] : memref<3136xi32, #tpu.memory_space<vmem>> -> memref<784xi32, #tpu.memory_space<vmem>>
    %dma_wait3A_71 = tpu.memref_slice %arg3[%add3A_5] : memref<100000xi32, #tpu.memory_space<hbm>> -> memref<784xi32, #tpu.memory_space<hbm>>
    tpu.wait_dma2 semaphore(%arg10 : memref<!tpu.dma_semaphore, #tpu.memory_space<semaphore_mem>>) src(%dma_wait3A_71 : memref<784xi32, #tpu.memory_space<hbm>>) dst(%dma_wait3A_70 : memref<784xi32, #tpu.memory_space<vmem>>)
    %dma_wait3A_72 = arith.constant 0 : i32
    %dma_wait3A_73 = tpu.memref_slice %arg8[%dma_wait3A_72] : memref<3136xf32, #tpu.memory_space<vmem>> -> memref<784xf32, #tpu.memory_space<vmem>>
    %dma_wait3A_74 = tpu.memref_slice %arg2[%add3A_12] : memref<100000xf32, #tpu.memory_space<hbm>> -> memref<784xf32, #tpu.memory_space<hbm>>
    %dma_wait3A_75 = arith.constant 0 : i32
    %dma_wait3A_76 = tpu.memref_slice %arg8[%dma_wait3A_75] : memref<3136xf32, #tpu.memory_space<vmem>> -> memref<784xf32, #tpu.memory_space<vmem>>
    %dma_wait3A_77 = tpu.memref_slice %arg2[%add3A_12] : memref<100000xf32, #tpu.memory_space<hbm>> -> memref<784xf32, #tpu.memory_space<hbm>>
    tpu.wait_dma2 semaphore(%arg10 : memref<!tpu.dma_semaphore, #tpu.memory_space<semaphore_mem>>) src(%dma_wait3A_77 : memref<784xf32, #tpu.memory_space<hbm>>) dst(%dma_wait3A_76 : memref<784xf32, #tpu.memory_space<vmem>>)
    %parallel_loop3A = arith.constant 0 : i32
    %parallel_loop3A_78 = arith.constant 784 : i32
    %parallel_loop3A_79 = arith.constant 16 : i32
    scf.for %parallel_loop3A_181 = %parallel_loop3A to %parallel_loop3A_78 step %parallel_loop3A_79  : i32 {
      %parallel_loop3A_182 = arith.index_cast %parallel_loop3A_181 : i32 to index
      %parallel_loop3A_183 = tpu.vector_load %arg7[%parallel_loop3A_182] {strides = array<i32>} : memref<3136xi32, #tpu.memory_space<vmem>>, vector<16xi32>,
      %parallel_loop3A_184 = tpu.vector_load_idx %arg6[%parallel_loop3A_183] : memref<119xf32, #tpu.memory_space<vmem>>[vector<16xi32>], vector<16xf32>,
      %parallel_loop3A_185 = arith.index_cast %parallel_loop3A_181 : i32 to index
      %parallel_loop3A_186 = tpu.vector_load %arg8[%parallel_loop3A_185] {strides = array<i32>} : memref<3136xf32, #tpu.memory_space<vmem>>, vector<16xf32>,
      %parallel_loop3A_187 = arith.mulf %parallel_loop3A_184, %parallel_loop3A_186 : vector<16xf32>
      %parallel_loop3A_188 = arith.index_cast %parallel_loop3A_181 : i32 to index
      %parallel_loop3A_189 = tpu.vector_load %arg9[%parallel_loop3A_188] {strides = array<i32>} : memref<3136xf32, #tpu.memory_space<vmem>>, vector<16xf32>,
      tpu.vector_store %arg9[%parallel_loop3A_188], %parallel_loop3A_187 {strides = array<i32>} : memref<3136xf32, #tpu.memory_space<vmem>>, vector<16xf32>,
    } {sc.loop_unroll_factor = 8 : i64, sc.parallel_access}
    %add3A_80 = arith.constant 0 : i32
    %add3A_81 = arith.addi %min3A_3, %add3A_80 : i32
    %dma_start3A_82 = arith.constant 0 : i32
    %dma_start3A_83 = tpu.memref_slice %arg9[%dma_start3A_82] : memref<3136xf32, #tpu.memory_space<vmem>> -> memref<784xf32, #tpu.memory_space<vmem>>
    %dma_start3A_84 = tpu.memref_slice %arg5[%add3A_81] : memref<100000xf32, #tpu.memory_space<hbm>> -> memref<784xf32, #tpu.memory_space<hbm>>
    %dma_start3A_85 = tpu.memref_slice %arg5[%add3A_81] : memref<100000xf32, #tpu.memory_space<hbm>> -> memref<784xf32, #tpu.memory_space<hbm>>
    %dma_start3A_86 = arith.constant 0 : i32
    %dma_start3A_87 = tpu.memref_slice %arg9[%dma_start3A_86] : memref<3136xf32, #tpu.memory_space<vmem>> -> memref<784xf32, #tpu.memory_space<vmem>>
    tpu.enqueue_dma source(%dma_start3A_87 : memref<784xf32, #tpu.memory_space<vmem>>) target(%dma_start3A_85 : memref<784xf32, #tpu.memory_space<hbm>>) target_semaphore(%arg14 : memref<!tpu.dma_semaphore, #tpu.memory_space<semaphore_mem>>)
    %dma_wait3A_88 = arith.constant 784 : i32
    %dma_wait3A_89 = tpu.memref_slice %arg7[%dma_wait3A_88] : memref<3136xi32, #tpu.memory_space<vmem>> -> memref<784xi32, #tpu.memory_space<vmem>>
    %dma_wait3A_90 = tpu.memref_slice %arg3[%add3A_20] : memref<100000xi32, #tpu.memory_space<hbm>> -> memref<784xi32, #tpu.memory_space<hbm>>
    %dma_wait3A_91 = arith.constant 784 : i32
    %dma_wait3A_92 = tpu.memref_slice %arg7[%dma_wait3A_91] : memref<3136xi32, #tpu.memory_space<vmem>> -> memref<784xi32, #tpu.memory_space<vmem>>
    %dma_wait3A_93 = tpu.memref_slice %arg3[%add3A_20] : memref<100000xi32, #tpu.memory_space<hbm>> -> memref<784xi32, #tpu.memory_space<hbm>>
    tpu.wait_dma2 semaphore(%arg11 : memref<!tpu.dma_semaphore, #tpu.memory_space<semaphore_mem>>) src(%dma_wait3A_93 : memref<784xi32, #tpu.memory_space<hbm>>) dst(%dma_wait3A_92 : memref<784xi32, #tpu.memory_space<vmem>>)
    %dma_wait3A_94 = arith.constant 784 : i32
    %dma_wait3A_95 = tpu.memref_slice %arg8[%dma_wait3A_94] : memref<3136xf32, #tpu.memory_space<vmem>> -> memref<784xf32, #tpu.memory_space<vmem>>
    %dma_wait3A_96 = tpu.memref_slice %arg2[%add3A_28] : memref<100000xf32, #tpu.memory_space<hbm>> -> memref<784xf32, #tpu.memory_space<hbm>>
    %dma_wait3A_97 = arith.constant 784 : i32
    %dma_wait3A_98 = tpu.memref_slice %arg8[%dma_wait3A_97] : memref<3136xf32, #tpu.memory_space<vmem>> -> memref<784xf32, #tpu.memory_space<vmem>>
    %dma_wait3A_99 = tpu.memref_slice %arg2[%add3A_28] : memref<100000xf32, #tpu.memory_space<hbm>> -> memref<784xf32, #tpu.memory_space<hbm>>
    tpu.wait_dma2 semaphore(%arg11 : memref<!tpu.dma_semaphore, #tpu.memory_space<semaphore_mem>>) src(%dma_wait3A_99 : memref<784xf32, #tpu.memory_space<hbm>>) dst(%dma_wait3A_98 : memref<784xf32, #tpu.memory_space<vmem>>)
    %parallel_loop3A_100 = arith.constant 784 : i32
    %parallel_loop3A_101 = arith.constant 1568 : i32
    %parallel_loop3A_102 = arith.constant 16 : i32
    scf.for %parallel_loop3A_181 = %parallel_loop3A_100 to %parallel_loop3A_101 step %parallel_loop3A_102  : i32 {
      %parallel_loop3A_182 = arith.index_cast %parallel_loop3A_181 : i32 to index
      %parallel_loop3A_183 = tpu.vector_load %arg7[%parallel_loop3A_182] {strides = array<i32>} : memref<3136xi32, #tpu.memory_space<vmem>>, vector<16xi32>,
      %parallel_loop3A_184 = tpu.vector_load_idx %arg6[%parallel_loop3A_183] : memref<119xf32, #tpu.memory_space<vmem>>[vector<16xi32>], vector<16xf32>,
      %parallel_loop3A_185 = arith.index_cast %parallel_loop3A_181 : i32 to index
      %parallel_loop3A_186 = tpu.vector_load %arg8[%parallel_loop3A_185] {strides = array<i32>} : memref<3136xf32, #tpu.memory_space<vmem>>, vector<16xf32>,
      %parallel_loop3A_187 = arith.mulf %parallel_loop3A_184, %parallel_loop3A_186 : vector<16xf32>
      %parallel_loop3A_188 = arith.index_cast %parallel_loop3A_181 : i32 to index
      %parallel_loop3A_189 = tpu.vector_load %arg9[%parallel_loop3A_188] {strides = array<i32>} : memref<3136xf32, #tpu.memory_space<vmem>>, vector<16xf32>,
      tpu.vector_store %arg9[%parallel_loop3A_188], %parallel_loop3A_187 {strides = array<i32>} : memref<3136xf32, #tpu.memory_space<vmem>>, vector<16xf32>,
    } {sc.loop_unroll_factor = 8 : i64, sc.parallel_access}
    %add3A_103 = arith.constant 784 : i32
    %add3A_104 = arith.addi %min3A_3, %add3A_103 : i32
    %dma_start3A_105 = arith.constant 784 : i32
    %dma_start3A_106 = tpu.memref_slice %arg9[%dma_start3A_105] : memref<3136xf32, #tpu.memory_space<vmem>> -> memref<784xf32, #tpu.memory_space<vmem>>
    %dma_start3A_107 = tpu.memref_slice %arg5[%add3A_104] : memref<100000xf32, #tpu.memory_space<hbm>> -> memref<784xf32, #tpu.memory_space<hbm>>
    %dma_start3A_108 = tpu.memref_slice %arg5[%add3A_104] : memref<100000xf32, #tpu.memory_space<hbm>> -> memref<784xf32, #tpu.memory_space<hbm>>
    %dma_start3A_109 = arith.constant 784 : i32
    %dma_start3A_110 = tpu.memref_slice %arg9[%dma_start3A_109] : memref<3136xf32, #tpu.memory_space<vmem>> -> memref<784xf32, #tpu.memory_space<vmem>>
    tpu.enqueue_dma source(%dma_start3A_110 : memref<784xf32, #tpu.memory_space<vmem>>) target(%dma_start3A_108 : memref<784xf32, #tpu.memory_space<hbm>>) target_semaphore(%arg14 : memref<!tpu.dma_semaphore, #tpu.memory_space<semaphore_mem>>)
    %dma_wait3A_111 = arith.constant 1568 : i32
    %dma_wait3A_112 = tpu.memref_slice %arg7[%dma_wait3A_111] : memref<3136xi32, #tpu.memory_space<vmem>> -> memref<784xi32, #tpu.memory_space<vmem>>
    %dma_wait3A_113 = tpu.memref_slice %arg3[%add3A_36] : memref<100000xi32, #tpu.memory_space<hbm>> -> memref<784xi32, #tpu.memory_space<hbm>>
    %dma_wait3A_114 = arith.constant 1568 : i32
    %dma_wait3A_115 = tpu.memref_slice %arg7[%dma_wait3A_114] : memref<3136xi32, #tpu.memory_space<vmem>> -> memref<784xi32, #tpu.memory_space<vmem>>
    %dma_wait3A_116 = tpu.memref_slice %arg3[%add3A_36] : memref<100000xi32, #tpu.memory_space<hbm>> -> memref<784xi32, #tpu.memory_space<hbm>>
    tpu.wait_dma2 semaphore(%arg12 : memref<!tpu.dma_semaphore, #tpu.memory_space<semaphore_mem>>) src(%dma_wait3A_116 : memref<784xi32, #tpu.memory_space<hbm>>) dst(%dma_wait3A_115 : memref<784xi32, #tpu.memory_space<vmem>>)
    %dma_wait3A_117 = arith.constant 1568 : i32
    %dma_wait3A_118 = tpu.memref_slice %arg8[%dma_wait3A_117] : memref<3136xf32, #tpu.memory_space<vmem>> -> memref<784xf32, #tpu.memory_space<vmem>>
    %dma_wait3A_119 = tpu.memref_slice %arg2[%add3A_44] : memref<100000xf32, #tpu.memory_space<hbm>> -> memref<784xf32, #tpu.memory_space<hbm>>
    %dma_wait3A_120 = arith.constant 1568 : i32
    %dma_wait3A_121 = tpu.memref_slice %arg8[%dma_wait3A_120] : memref<3136xf32, #tpu.memory_space<vmem>> -> memref<784xf32, #tpu.memory_space<vmem>>
    %dma_wait3A_122 = tpu.memref_slice %arg2[%add3A_44] : memref<100000xf32, #tpu.memory_space<hbm>> -> memref<784xf32, #tpu.memory_space<hbm>>
    tpu.wait_dma2 semaphore(%arg12 : memref<!tpu.dma_semaphore, #tpu.memory_space<semaphore_mem>>) src(%dma_wait3A_122 : memref<784xf32, #tpu.memory_space<hbm>>) dst(%dma_wait3A_121 : memref<784xf32, #tpu.memory_space<vmem>>)
    %parallel_loop3A_123 = arith.constant 1568 : i32
    %parallel_loop3A_124 = arith.constant 2352 : i32
    %parallel_loop3A_125 = arith.constant 16 : i32
    scf.for %parallel_loop3A_181 = %parallel_loop3A_123 to %parallel_loop3A_124 step %parallel_loop3A_125  : i32 {
      %parallel_loop3A_182 = arith.index_cast %parallel_loop3A_181 : i32 to index
      %parallel_loop3A_183 = tpu.vector_load %arg7[%parallel_loop3A_182] {strides = array<i32>} : memref<3136xi32, #tpu.memory_space<vmem>>, vector<16xi32>,
      %parallel_loop3A_184 = tpu.vector_load_idx %arg6[%parallel_loop3A_183] : memref<119xf32, #tpu.memory_space<vmem>>[vector<16xi32>], vector<16xf32>,
      %parallel_loop3A_185 = arith.index_cast %parallel_loop3A_181 : i32 to index
      %parallel_loop3A_186 = tpu.vector_load %arg8[%parallel_loop3A_185] {strides = array<i32>} : memref<3136xf32, #tpu.memory_space<vmem>>, vector<16xf32>,
      %parallel_loop3A_187 = arith.mulf %parallel_loop3A_184, %parallel_loop3A_186 : vector<16xf32>
      %parallel_loop3A_188 = arith.index_cast %parallel_loop3A_181 : i32 to index
      %parallel_loop3A_189 = tpu.vector_load %arg9[%parallel_loop3A_188] {strides = array<i32>} : memref<3136xf32, #tpu.memory_space<vmem>>, vector<16xf32>,
      tpu.vector_store %arg9[%parallel_loop3A_188], %parallel_loop3A_187 {strides = array<i32>} : memref<3136xf32, #tpu.memory_space<vmem>>, vector<16xf32>,
    } {sc.loop_unroll_factor = 8 : i64, sc.parallel_access}
    %add3A_126 = arith.constant 1568 : i32
    %add3A_127 = arith.addi %min3A_3, %add3A_126 : i32
    %dma_start3A_128 = arith.constant 1568 : i32
    %dma_start3A_129 = tpu.memref_slice %arg9[%dma_start3A_128] : memref<3136xf32, #tpu.memory_space<vmem>> -> memref<784xf32, #tpu.memory_space<vmem>>
    %dma_start3A_130 = tpu.memref_slice %arg5[%add3A_127] : memref<100000xf32, #tpu.memory_space<hbm>> -> memref<784xf32, #tpu.memory_space<hbm>>
    %dma_start3A_131 = tpu.memref_slice %arg5[%add3A_127] : memref<100000xf32, #tpu.memory_space<hbm>> -> memref<784xf32, #tpu.memory_space<hbm>>
    %dma_start3A_132 = arith.constant 1568 : i32
    %dma_start3A_133 = tpu.memref_slice %arg9[%dma_start3A_132] : memref<3136xf32, #tpu.memory_space<vmem>> -> memref<784xf32, #tpu.memory_space<vmem>>
    tpu.enqueue_dma source(%dma_start3A_133 : memref<784xf32, #tpu.memory_space<vmem>>) target(%dma_start3A_131 : memref<784xf32, #tpu.memory_space<hbm>>) target_semaphore(%arg14 : memref<!tpu.dma_semaphore, #tpu.memory_space<semaphore_mem>>)
    %dma_wait3A_134 = arith.constant 2352 : i32
    %dma_wait3A_135 = tpu.memref_slice %arg7[%dma_wait3A_134] : memref<3136xi32, #tpu.memory_space<vmem>> -> memref<784xi32, #tpu.memory_space<vmem>>
    %dma_wait3A_136 = tpu.memref_slice %arg3[%add3A_52] : memref<100000xi32, #tpu.memory_space<hbm>> -> memref<784xi32, #tpu.memory_space<hbm>>
    %dma_wait3A_137 = arith.constant 2352 : i32
    %dma_wait3A_138 = tpu.memref_slice %arg7[%dma_wait3A_137] : memref<3136xi32, #tpu.memory_space<vmem>> -> memref<784xi32, #tpu.memory_space<vmem>>
    %dma_wait3A_139 = tpu.memref_slice %arg3[%add3A_52] : memref<100000xi32, #tpu.memory_space<hbm>> -> memref<784xi32, #tpu.memory_space<hbm>>
    tpu.wait_dma2 semaphore(%arg13 : memref<!tpu.dma_semaphore, #tpu.memory_space<semaphore_mem>>) src(%dma_wait3A_139 : memref<784xi32, #tpu.memory_space<hbm>>) dst(%dma_wait3A_138 : memref<784xi32, #tpu.memory_space<vmem>>)
    %dma_wait3A_140 = arith.constant 2352 : i32
    %dma_wait3A_141 = tpu.memref_slice %arg8[%dma_wait3A_140] : memref<3136xf32, #tpu.memory_space<vmem>> -> memref<784xf32, #tpu.memory_space<vmem>>
    %dma_wait3A_142 = tpu.memref_slice %arg2[%add3A_60] : memref<100000xf32, #tpu.memory_space<hbm>> -> memref<784xf32, #tpu.memory_space<hbm>>
    %dma_wait3A_143 = arith.constant 2352 : i32
    %dma_wait3A_144 = tpu.memref_slice %arg8[%dma_wait3A_143] : memref<3136xf32, #tpu.memory_space<vmem>> -> memref<784xf32, #tpu.memory_space<vmem>>
    %dma_wait3A_145 = tpu.memref_slice %arg2[%add3A_60] : memref<100000xf32, #tpu.memory_space<hbm>> -> memref<784xf32, #tpu.memory_space<hbm>>
    tpu.wait_dma2 semaphore(%arg13 : memref<!tpu.dma_semaphore, #tpu.memory_space<semaphore_mem>>) src(%dma_wait3A_145 : memref<784xf32, #tpu.memory_space<hbm>>) dst(%dma_wait3A_144 : memref<784xf32, #tpu.memory_space<vmem>>)
    %parallel_loop3A_146 = arith.constant 2352 : i32
    %parallel_loop3A_147 = arith.constant 3136 : i32
    %parallel_loop3A_148 = arith.constant 16 : i32
    scf.for %parallel_loop3A_181 = %parallel_loop3A_146 to %parallel_loop3A_147 step %parallel_loop3A_148  : i32 {
      %parallel_loop3A_182 = arith.index_cast %parallel_loop3A_181 : i32 to index
      %parallel_loop3A_183 = tpu.vector_load %arg7[%parallel_loop3A_182] {strides = array<i32>} : memref<3136xi32, #tpu.memory_space<vmem>>, vector<16xi32>,
      %parallel_loop3A_184 = tpu.vector_load_idx %arg6[%parallel_loop3A_183] : memref<119xf32, #tpu.memory_space<vmem>>[vector<16xi32>], vector<16xf32>,
      %parallel_loop3A_185 = arith.index_cast %parallel_loop3A_181 : i32 to index
      %parallel_loop3A_186 = tpu.vector_load %arg8[%parallel_loop3A_185] {strides = array<i32>} : memref<3136xf32, #tpu.memory_space<vmem>>, vector<16xf32>,
      %parallel_loop3A_187 = arith.mulf %parallel_loop3A_184, %parallel_loop3A_186 : vector<16xf32>
      %parallel_loop3A_188 = arith.index_cast %parallel_loop3A_181 : i32 to index
      %parallel_loop3A_189 = tpu.vector_load %arg9[%parallel_loop3A_188] {strides = array<i32>} : memref<3136xf32, #tpu.memory_space<vmem>>, vector<16xf32>,
      tpu.vector_store %arg9[%parallel_loop3A_188], %parallel_loop3A_187 {strides = array<i32>} : memref<3136xf32, #tpu.memory_space<vmem>>, vector<16xf32>,
    } {sc.loop_unroll_factor = 8 : i64, sc.parallel_access}
    %add3A_149 = arith.constant 2352 : i32
    %add3A_150 = arith.addi %min3A_3, %add3A_149 : i32
    %dma_start3A_151 = arith.constant 2352 : i32
    %dma_start3A_152 = tpu.memref_slice %arg9[%dma_start3A_151] : memref<3136xf32, #tpu.memory_space<vmem>> -> memref<784xf32, #tpu.memory_space<vmem>>
    %dma_start3A_153 = tpu.memref_slice %arg5[%add3A_150] : memref<100000xf32, #tpu.memory_space<hbm>> -> memref<784xf32, #tpu.memory_space<hbm>>
    %dma_start3A_154 = tpu.memref_slice %arg5[%add3A_150] : memref<100000xf32, #tpu.memory_space<hbm>> -> memref<784xf32, #tpu.memory_space<hbm>>
    %dma_start3A_155 = arith.constant 2352 : i32
    %dma_start3A_156 = tpu.memref_slice %arg9[%dma_start3A_155] : memref<3136xf32, #tpu.memory_space<vmem>> -> memref<784xf32, #tpu.memory_space<vmem>>
    tpu.enqueue_dma source(%dma_start3A_156 : memref<784xf32, #tpu.memory_space<vmem>>) target(%dma_start3A_154 : memref<784xf32, #tpu.memory_space<hbm>>) target_semaphore(%arg14 : memref<!tpu.dma_semaphore, #tpu.memory_space<semaphore_mem>>)
    %dma_wait3A_157 = arith.constant 0 : i32
    %dma_wait3A_158 = tpu.memref_slice %arg9[%dma_wait3A_157] : memref<3136xf32, #tpu.memory_space<vmem>> -> memref<784xf32, #tpu.memory_space<vmem>>
    %dma_wait3A_159 = tpu.memref_slice %arg5[%add3A_81] : memref<100000xf32, #tpu.memory_space<hbm>> -> memref<784xf32, #tpu.memory_space<hbm>>
    %dma_wait3A_160 = tpu.memref_slice %arg5[%add3A_81] : memref<100000xf32, #tpu.memory_space<hbm>> -> memref<784xf32, #tpu.memory_space<hbm>>
    %dma_wait3A_161 = arith.constant 0 : i32
    %dma_wait3A_162 = tpu.memref_slice %arg9[%dma_wait3A_161] : memref<3136xf32, #tpu.memory_space<vmem>> -> memref<784xf32, #tpu.memory_space<vmem>>
    tpu.wait_dma2 semaphore(%arg14 : memref<!tpu.dma_semaphore, #tpu.memory_space<semaphore_mem>>) src(%dma_wait3A_162 : memref<784xf32, #tpu.memory_space<vmem>>) dst(%dma_wait3A_160 : memref<784xf32, #tpu.memory_space<hbm>>)
    %dma_wait3A_163 = arith.constant 784 : i32
    %dma_wait3A_164 = tpu.memref_slice %arg9[%dma_wait3A_163] : memref<3136xf32, #tpu.memory_space<vmem>> -> memref<784xf32, #tpu.memory_space<vmem>>
    %dma_wait3A_165 = tpu.memref_slice %arg5[%add3A_104] : memref<100000xf32, #tpu.memory_space<hbm>> -> memref<784xf32, #tpu.memory_space<hbm>>
    %dma_wait3A_166 = tpu.memref_slice %arg5[%add3A_104] : memref<100000xf32, #tpu.memory_space<hbm>> -> memref<784xf32, #tpu.memory_space<hbm>>
    %dma_wait3A_167 = arith.constant 784 : i32
    %dma_wait3A_168 = tpu.memref_slice %arg9[%dma_wait3A_167] : memref<3136xf32, #tpu.memory_space<vmem>> -> memref<784xf32, #tpu.memory_space<vmem>>
    tpu.wait_dma2 semaphore(%arg14 : memref<!tpu.dma_semaphore, #tpu.memory_space<semaphore_mem>>) src(%dma_wait3A_168 : memref<784xf32, #tpu.memory_space<vmem>>) dst(%dma_wait3A_166 : memref<784xf32, #tpu.memory_space<hbm>>)
    %dma_wait3A_169 = arith.constant 1568 : i32
    %dma_wait3A_170 = tpu.memref_slice %arg9[%dma_wait3A_169] : memref<3136xf32, #tpu.memory_space<vmem>> -> memref<784xf32, #tpu.memory_space<vmem>>
    %dma_wait3A_171 = tpu.memref_slice %arg5[%add3A_127] : memref<100000xf32, #tpu.memory_space<hbm>> -> memref<784xf32, #tpu.memory_space<hbm>>
    %dma_wait3A_172 = tpu.memref_slice %arg5[%add3A_127] : memref<100000xf32, #tpu.memory_space<hbm>> -> memref<784xf32, #tpu.memory_space<hbm>>
    %dma_wait3A_173 = arith.constant 1568 : i32
    %dma_wait3A_174 = tpu.memref_slice %arg9[%dma_wait3A_173] : memref<3136xf32, #tpu.memory_space<vmem>> -> memref<784xf32, #tpu.memory_space<vmem>>
    tpu.wait_dma2 semaphore(%arg14 : memref<!tpu.dma_semaphore, #tpu.memory_space<semaphore_mem>>) src(%dma_wait3A_174 : memref<784xf32, #tpu.memory_space<vmem>>) dst(%dma_wait3A_172 : memref<784xf32, #tpu.memory_space<hbm>>)
    %dma_wait3A_175 = arith.constant 2352 : i32
    %dma_wait3A_176 = tpu.memref_slice %arg9[%dma_wait3A_175] : memref<3136xf32, #tpu.memory_space<vmem>> -> memref<784xf32, #tpu.memory_space<vmem>>
    %dma_wait3A_177 = tpu.memref_slice %arg5[%add3A_150] : memref<100000xf32, #tpu.memory_space<hbm>> -> memref<784xf32, #tpu.memory_space<hbm>>
    %dma_wait3A_178 = tpu.memref_slice %arg5[%add3A_150] : memref<100000xf32, #tpu.memory_space<hbm>> -> memref<784xf32, #tpu.memory_space<hbm>>
    %dma_wait3A_179 = arith.constant 2352 : i32
    %dma_wait3A_180 = tpu.memref_slice %arg9[%dma_wait3A_179] : memref<3136xf32, #tpu.memory_space<vmem>> -> memref<784xf32, #tpu.memory_space<vmem>>
    tpu.wait_dma2 semaphore(%arg14 : memref<!tpu.dma_semaphore, #tpu.memory_space<semaphore_mem>>) src(%dma_wait3A_180 : memref<784xf32, #tpu.memory_space<vmem>>) dst(%dma_wait3A_178 : memref<784xf32, #tpu.memory_space<hbm>>)
    return
  }
}

</mosaic_0001>

<sc_bundles>
// kernel: kernel.3.cloned.1.call-start
scs
__scs_entry_jumppad:
0x0: {  	(pc) =	sbr.rel $0x88, $3  }
0x1: {  	(tag) =	ssettag $0x0;
	lr =	simm.s32 $0x1  }
0x2: {  	[smem:$0x3F9E] =	sst lr;
	_ =	strace $0xD0000000  }
0x3: {  	_ = 	snop  }
0x4: {  	_ = 	snop  }
0x5: {  	_ = 	snop  }
0x6: {  	_ = 	snop  }
0x7: {  	_ = 	snop  }
__scs_overlays_trampoline_lowered:
0x8: {  	[smem:$0x3FAD] =	sst s0  }
0x9: {  	[smem:$0x3FAE] =	sst s1  }
0xa: {  	[smem:$0x3FAF] =	sst s2  }
0xb: {  	[smem:$0x3FB0] =	sst s3  }
0xc: {  	[smem:$0x3FB1] =	sst s4  }
0xd: {  	[smem:$0x3FB2] =	sst s5  }
0xe: {  	[smem:$0x3FB3] =	sst s6  }
0xf: {  	[smem:$0x3FB4] =	sst s7  }
0x10: {  	[smem:$0x3FB5] =	sst s8  }
0x11: {  	[smem:$0x3FB6] =	sst s9;
	s0 =	simm.s32 @!p0 $0x0  }
0x12: {  	s1 =	sld [smem:$0x3F9C];
	s0 =	simm.s32 @p0 $0x1  }
0x13: {  	[smem:$0x3FB7] =	sst s0;
	s0 =	simm.s32 @!p1 $0x0  }
0x14: {  	s2 =	sld [smem:$0x3F9B];
	s0 =	simm.s32 @p1 $0x1  }
0x15: {  	[smem:$0x3FB8] =	sst s0;
	s0 =	simm.s32 @!p2 $0x0  }
0x16: {  	s3 =	sld [smem:$0x3FDB];
	s0 =	simm.s32 @p2 $0x1  }
0x17: {  	s4 =	simm.s32 $0x1BF5;
	[smem:$0x3FBA] =	sst s0  }
0x18: {  	s0 =	sld [smem:$0x3F9D];
	_ =	swait.ge [sflag:s4], $0x0  }
0x19: {  	s7 =	sld [smem:$0x3F9E]  }
0x1a: {  	s8 =	sadd.s32 $0xFFFFE003, lr  }
0x1b: {  	s9 =	sadd.s32 $0xFFFFFEF7, lr;
	s5 =	simm.s32 $0xFFFFFFFF;
	p2 =	slt.u32 s8, $0xFFFFF086  }
0x1c: {  	p1 =	slt.u32 s9, $0xF7A;
	s5 =	simm.s32 @!p2 $0x0  }
0x1d: {  	s5 =	simm.s32 @p1 $0x1;
	p0 =	seq.s32 s7, s2  }
0x1e: {  	s7 =	smul.u32 @!p0 $0xF7A, s2;
	p2 =	seq.s32 @!p0 s5, $0x0  }
0x1f: {  	s9 =	smul.u32 $0xF7A, s1;
	s8 =	simm.s32 @!p0 $0x1BF5;
	p2 =	por !p2, p0  }
0x20: {  	[sflag:s8] =	ssyncset.s32 @!p0 $0xFFFFF086;
	s6 =	sadd.s32 @!p0 s3, s7;
	s7 =	simm.s32 @!p0 $0x108  }
0x21: {  	s3 =	sadd.s32 s3, s9;
	s6 =	sadd.s32 @!p0 $0x88, s6;
	s7 =	simm.s32 @p2 $0x1082  }
0x22: {  	[simem:s7], [sflag:s8] =	dma.local @!p0 [hbm:s6], $0xF7A  }
0x23: {  	s9 =	sor.u32 $0xD0000000, s2;
	s6 =	simm.s32 $0x108;
	_ =	swait.ge @!p0 [sflag:s8], $0x0  }
0x24: {  	s3 =	sadd.s32 $0x88, s3;
	s6 =	simm.s32 @!p1 $0x1082;
	[sflag:s4] =	ssyncset.s32 $0xFFFFF086  }
0x25: {  	[simem:s6], [sflag:s4] =	dma.local [hbm:s3], $0xF7A  }
0x26: {  	[smem:$0x3F9E] =	sst s1;
	(tag) =	ssettag s2;
	_ =	strace s9  }
0x27: {  	s1 =	sld [smem:$0x3FAE]  }
0x28: {  	s2 =	sld [smem:$0x3FAF]  }
0x29: {  	s4 =	sld [smem:$0x3FB1]  }
0x2a: {  	p0 =	seq.s32 s5, $0x0;
	s5 =	sld [smem:$0x3FB2]  }
0x2b: {  	s6 =	sld [smem:$0x3FB3]  }
0x2c: {  	s7 =	sld [smem:$0x3FB4]  }
0x2d: {  	s3 =	simm.s32 $0x108;
	s8 =	sld [smem:$0x3FB5]  }
0x2e: {  	s3 =	simm.s32 @!p0 $0x1082;
	s9 =	sld [smem:$0x3FB6]  }
0x2f: {  	lr =	sadd.s32 s0, s3;
	s0 =	sld [smem:$0x3FAD]  }
0x30: {  	s3 =	sld [smem:$0x3FB0]  }
0x31: {  	[smem:$0x3FB9] =	sst s10  }
0x32: {  	s10 =	sld [smem:$0x3FB7];
	_ =	sdelay $0x3  }
0x33: {  	p0 =	seq.s32 s10, $0x1;
	s10 =	sld [smem:$0x3FB9];
	_ =	sdelay $0x3  }
0x34: {  	[smem:$0x3FB9] =	sst s10  }
0x35: {  	s10 =	sld [smem:$0x3FB8];
	_ =	sdelay $0x3  }
0x36: {  	p1 =	seq.s32 s10, $0x1;
	s10 =	sld [smem:$0x3FB9];
	_ =	sdelay $0x3  }
0x37: {  	[smem:$0x3FB9] =	sst s10  }
0x38: {  	s10 =	sld [smem:$0x3FBA]  }
0x39: {  	_ = 	snop;
	(pc) =	sbr.ind lr, $3  }
0x3a: {  	_ = 	snop  }
0x3b: {  	_ = 	snop  }
0x3c: {  	p2 =	seq.s32 s10, $0x1;
	s10 =	sld [smem:$0x3FB9]  }
0x3d: {  	_ =	shalt  }
0x3e: {  	_ =	shalt  }
0x3f: {  	_ =	shalt  }
0x40: {  	_ =	shalt  }
0x41: {  	_ =	shalt  }
0x42: {  	_ =	shalt  }
0x43: {  	_ =	shalt  }
0x44: {  	_ =	shalt  }
0x45: {  	_ =	shalt  }
0x46: {  	_ =	shalt  }
0x47: {  	_ =	shalt  }
0x48: {  	_ =	shalt  }
0x49: {  	_ =	shalt  }
0x4a: {  	_ =	shalt  }
0x4b: {  	_ =	shalt  }
0x4c: {  	_ =	shalt  }
0x4d: {  	_ =	shalt  }
0x4e: {  	_ =	shalt  }
0x4f: {  	_ =	shalt  }
0x50: {  	_ =	shalt  }
0x51: {  	_ =	shalt  }
0x52: {  	_ =	shalt  }
0x53: {  	_ =	shalt  }
0x54: {  	_ =	shalt  }
0x55: {  	_ =	shalt  }
0x56: {  	_ =	shalt  }
0x57: {  	_ =	shalt  }
0x58: {  	_ =	shalt  }
0x59: {  	_ =	shalt  }
0x5a: {  	_ =	shalt  }
0x5b: {  	_ =	shalt  }
0x5c: {  	_ =	shalt  }
0x5d: {  	_ =	shalt  }
0x5e: {  	_ =	shalt  }
0x5f: {  	_ =	shalt  }
0x60: {  	_ =	shalt  }
0x61: {  	_ =	shalt  }
0x62: {  	_ =	shalt  }
0x63: {  	_ =	shalt  }
0x64: {  	_ =	shalt  }
0x65: {  	_ =	shalt  }
0x66: {  	_ =	shalt  }
0x67: {  	_ =	shalt  }
0x68: {  	_ =	shalt  }
0x69: {  	_ =	shalt  }
0x6a: {  	_ =	shalt  }
0x6b: {  	_ =	shalt  }
0x6c: {  	_ =	shalt  }
0x6d: {  	_ =	shalt  }
0x6e: {  	_ =	shalt  }
0x6f: {  	_ =	shalt  }
0x70: {  	_ =	shalt  }
0x71: {  	_ =	shalt  }
0x72: {  	_ =	shalt  }
0x73: {  	_ =	shalt  }
0x74: {  	_ =	shalt  }
0x75: {  	_ =	shalt  }
0x76: {  	_ =	shalt  }
0x77: {  	_ =	shalt  }
0x78: {  	_ =	shalt  }
0x79: {  	_ =	shalt  }
0x7a: {  	_ =	shalt  }
0x7b: {  	_ =	shalt  }
0x7c: {  	_ =	shalt  }
0x7d: {  	_ =	shalt  }
0x7e: {  	_ =	shalt  }
0x7f: {  	_ =	shalt  }
0x80: {  	_ =	shalt  }
0x81: {  	_ =	shalt  }
0x82: {  	_ =	shalt  }
0x83: {  	_ =	shalt  }
0x84: {  	_ =	shalt  }
0x85: {  	_ =	shalt  }
0x86: {  	_ =	shalt  }
0x87: {  	_ =	shalt  }
.Lfunc_end0:
.L_simem_size_0:
called_computation_lowered:
.L_overlay_start_0:
0x88: {  	s2 =	sld [smem:$0x3FD9]  }
0x89: {  	s3 =	sld [smem:$0x3FFE];
	_ =	sdelay $0x1  }
0x8a: {  	s1 =	srdreg.scid  }
0x8b: {  	s0 =	sand.u32 $0x1, s1  }
0x8c: {  	s18 =	sshll.u32 s0, $0xA;
	s2 =	sadd.s32 s3, s2  }
0x8d: {  	s2 =	sadd.s32 s2, s18  }
0x8e: {  	[smem:$0x3FC5] =	sst s2  }
0x8f: {  	_ = 	snop  }
0x90: {  	s2 =	sld [smem:$0x3FC9]  }
0x91: {  	s19 =	sld [smem:$0x3FC8]  }
0x92: {  	s4 =	sld [smem:$0x3FC7]  }
0x93: {  	s5 =	sld [smem:$0x3FD0];
	(tm) =	ssettm $0x1  }
0x94: {  	s6 =	sld [smem:$0x3FFB];
	_ =	sdelay $0x3  }
0x95: {  	_ =	strace s6  }
0x96: {  	s6 =	sld [smem:$0x3FFC];
	_ =	sdelay $0x3  }
0x97: {  	_ =	strace s6  }
0x98: {  	s6 =	sld [smem:$0x3FFD];
	_ =	sdelay $0x3  }
0x99: {  	_ =	strace s6  }
0x9a: {  	_ =	strace $0x8FFFFFFF  }
0x9b: {  	s20 =	sld [smem:$0x3FDB];
	_ =	sdelay $0x1  }
0x9c: {  	s7 =	simm.s32 $_scs_section_size  }
0x9d: {  	s8 =	simm.s32 $_size__tile_overlayer_lowered;
	s9 =	simm.s32 $_tile_overlayer_lowered  }
0x9e: {  	s23 =	simm.s32 $0x1BFF;
	s22 =	sshll.u32 s9, $0x1;
	s6 =	sadd.s32 s7, s20  }
0x9f: {  	s10 =	simm.s32 $0x0;
	s21 =	sshll.u32 s8, $0x1;
	s8 =	sadd.s32 s22, s6  }
0xa0: {  	[timem:s10], [sflag:s23] =	dma.local [hbm:s8], s21  }
0xa1: {  	_ =	swait.ge [sflag:s23], s21  }
0xa2: {  	s7 =	ssub.s32 $0x0, s21;
	[sflag:s23] =	ssyncset.done $0x0  }
0xa3: {  	[sflag:s23] =	ssyncadd.s32 s7;
	_ =	sdelay $0x1  }
0xa4: {  	s24 =	simm.s32 $0x1B8B  }
0xa5: {  	_ =	swait.ge [sflag:s24], $0x1  }
0xa6: {  	[sflag:s24] =	ssyncset.done $0x0  }
0xa7: {  	s25 =	simm.s32 $0x1B8E;
	[sflag:s24] =	ssyncadd.s32 $0xFFFFFFFF  }
0xa8: {  	s26 =	simm.s32 $execute0_lowered;
	[smem:$0x3FD2] =	sst s25  }
0xa9: {  	s7 =	sshll.u32 s26, $0x1;
	_ =	strace $0x80000046;
	[dreg:$0x1] =	wrdreg $0xFFFFFFFF  }
0xaa: {  	s28 =	simm.s32 $_size_execute0_lowered;
	s6 =	sadd.s32 s6, s7;
	[dreg:$0x0] =	wrdreg $0x0  }
0xab: {  	s7 =	sshll.u32 s28, $0x1;
	[dreg:$0x2] =	wrdreg s6  }
0xac: {  	[dreg:$0x3] =	wrdreg s7  }
0xad: {  	[dreg:$0x4] =	wrdreg $0xC0  }
0xae: {  	_ =	task [dreg:s10], $0x5FFFF  }
0xaf: {  	[dreg:$0x1] =	wrdreg $0xFFFFFFFF  }
0xb0: {  	[dreg:$0x0] =	wrdreg $0x60  }
0xb1: {  	[dreg:$0x2] =	wrdreg s2  }
0xb2: {  	[dreg:$0x3] =	wrdreg s19  }
0xb3: {  	[dreg:$0x4] =	wrdreg s4  }
0xb4: {  	[dreg:$0x5] =	wrdreg s5  }
0xb5: {  	[dreg:$0x6] =	wrdreg $0x9  }
0xb6: {  	_ =	task.clear_ibuf [dreg:s10], $0x7FFFF;
	_ =	strace $0x90000046  }
0xb7: {  	s29 =	simm.s32 $0x9;
	_ =	strace $0x80000048  }
0xb8: {  	_ =	swait.ge [sflag:s29], $0x1  }
0xb9: {  	[sflag:s29] =	ssyncadd.s32 $0xFFFFFFFF  }
0xba: {  	_ =	strace $0x90000048  }
0xbb: {  	_ =	sfence  }
0xbc: {  	s30 =	sld [smem:$0x0];
	_ =	sdelay $0x2  }
0xbd: {  	s31 =	sshll.u32 s1, $0xD;
	s1 =	sshrl.u32 s1, $0x2  }
0xbe: {  	s3 =	sand.u32 $0x4000, s31;
	s1 =	sadd.s32 s1, s30  }
0xbf: {  	s0 =	sor.u32 s3, s0;
	s1 =	sshll.u32 s1, $0x11  }
0xc0: {  	s0 =	sor.u32 s1, s0  }
0xc1: {  	s0 =	sadd.s32 $0x8F2B, s0  }
0xc2: {  	[sflag:s0] =	ssyncadd.remote.s32 $0x1  }
0xc3: {  	_ =	sfence.sel $0xFFFF  }
0xc4: {  	[dreg:$0x0] =	wrdreg $0xFFFFFFFF;
	(pc) =	sbr.abs _section_cstart, $3  }
0xc5: {  	[dreg:$0x1] =	wrdreg $0xFFFFFFFF  }
0xc6: {  	_ =	task.clear_ibuf [dreg:s10], $0x2FFFF;
	_ =	strace $0x9FFFFFFF  }
0xc7: {  	(tm) =	ssettm $0x7FFFFFFF  }
tec
execute0_lowered:
.L_overlay_start_1:
0x0: {  	(tag) =	ssettag $0x1  }
0x1: {  	s0 =	rddreg [dreg:$0x0];
	s1 =	srdreg.scid  }
0x2: {  	s3 =	stileid.u32;
	s2 =	rddreg [dreg:$0x1]  }
0x3: {  	s15 =	rddreg [dreg:$0x3];
	s22 =	simm.s32 $0x1320;
	s23 =	simm.s32 $0x9B0  }
0x4: {  	s24 =	simm.s32 $0x1630;
	s1 =	sand.u32 $0x1, s1;
	s3 =	sshll.u32 s3, $0x1  }
0x5: {  	s25 =	simm.s32 $0x1;
	s26 =	simm.s32 $0x1980;
	s3 =	sor.u32 s1, s3  }
0x6: {  	s28 =	simm.s32 $0x2;
	s29 =	simm.s32 $0x1C90;
	s4 =	smul.u32 $0xC40, s3  }
0x7: {  	s30 =	simm.s32 $0x3;
	s31 =	simm.s32 $0x1FA0;
	s17 =	simm.s32 $0x0  }
0x8: {  	s1 =	ssub.s32 $0x2, s1;
	s3 =	simm.s32 $0x0;
	s4 =	smin.u32 s4, $0x17A60  }
0x9: {  	s5 =	sshrl.u32 s1, $0x1;
	[smem:$0x7FF] =	sst s3;
	s12 =	sshrl.u32 s4, $0x3  }
0xa: {  	s1 =	ssub.s32 s1, s5;
	_ =	strace $0x80000047;
	s13 =	sadd.s32 $0x62, s12  }
0xb: {  	s4 =	sadd.s32 s2, s12;
	s5 =	sadd.s32 s0, s12;
	s14 =	sadd.s32 $0xC4, s12  }
0xc: {  	s16 =	sadd.s32 $0x126, s12;
	s12 =	sadd.s32 s15, s12;
	s6 =	sadd.s32 s2, s13  }
0xd: {  	s7 =	sadd.s32 s0, s13;
	s8 =	sadd.s32 s2, s14;
	s9 =	sadd.s32 s0, s14  }
0xe: {  	s10 =	sadd.s32 s2, s16;
	s11 =	sadd.s32 s0, s16;
	s13 =	sadd.s32 s15, s13  }
0xf: {  	s14 =	sadd.s32 s15, s14;
	s15 =	sadd.s32 s15, s16;
	s16 =	smax.u32 s1, $0x1  }
0x10: {  	s1 =	simm.s32 $0x4;
	s0 =	simm.s32 $0x22B0;
	s2 =	simm.s32 $0x5  }
.LBB2_1:
0x11: {  	s18 =	rddreg [dreg:$0x2]  }
0x12: {  	[tilespmem:s3], [sflag:$0x1] =	stream.linear.gather [hbm4b:s18+s3], $0x80, $0x38;
	[tilespmem:$0x2600] =	vst v63  }
0x13: {  	s19 =	simm.s32 $0x80  }
0x14: {  	[tilespmem:s19], [sflag:$0x1] =	stream.linear.gather [hbm4b:s4+s3], $0x310, $0x38;
	[tilespmem:$0x2600] =	vst v63  }
0x15: {  	s20 =	simm.s32 $0xD00  }
0x16: {  	[tilespmem:s20], [sflag:$0x1] =	stream.linear.gather [hbm4b:s5+s3], $0x310, $0x38;
	[tilespmem:$0x2600] =	vst v63  }
0x17: {  	s21 =	simm.s32 $0x390  }
0x18: {  	[tilespmem:s21], [sflag:$0x2] =	stream.linear.gather [hbm4b:s6+s3], $0x310, $0x38;
	[tilespmem:$0x2600] =	vst v63  }
0x19: {  	s19 =	simm.s32 $0x1010  }
0x1a: {  	[tilespmem:s19], [sflag:$0x2] =	stream.linear.gather [hbm4b:s7+s3], $0x310, $0x38;
	[tilespmem:$0x2600] =	vst v63  }
0x1b: {  	s20 =	simm.s32 $0x6A0  }
0x1c: {  	[tilespmem:s20], [sflag:$0x3] =	stream.linear.gather [hbm4b:s8+s3], $0x310, $0x38;
	[tilespmem:$0x2600] =	vst v63  }
0x1d: {  	_ = 	snop  }
0x1e: {  	[tilespmem:s22], [sflag:$0x3] =	stream.linear.gather [hbm4b:s9+s3], $0x310, $0x38;
	[tilespmem:$0x2600] =	vst v63  }
0x1f: {  	_ = 	snop  }
0x20: {  	[tilespmem:s23], [sflag:$0x4] =	stream.linear.gather [hbm4b:s10+s3], $0x310, $0x38;
	[tilespmem:$0x2600] =	vst v63  }
0x21: {  	_ = 	snop  }
0x22: {  	[tilespmem:s24], [sflag:$0x4] =	stream.linear.gather [hbm4b:s11+s3], $0x310, $0x38;
	[tilespmem:$0x2600] =	vst v63  }
0x23: {  	_ =	swait.ge [sflag:s25], $0x80  }
0x24: {  	[sflag:s25] =	ssyncset.done $0x0  }
0x25: {  	[sflag:s25] =	ssyncadd.s32 $0xFFFFFF80  }
0x26: {  	_ =	swait.ge [sflag:s25], $0x310  }
0x27: {  	[sflag:s25] =	ssyncset.done $0x0  }
0x28: {  	[sflag:s25] =	ssyncadd.s32 $0xFFFFFCF0  }
0x29: {  	_ =	swait.ge [sflag:s25], $0x310  }
0x2a: {  	[sflag:s25] =	ssyncset.done $0x0  }
0x2b: {  	s21 =	simm.s32 $0xC0;
	[sflag:s25] =	ssyncadd.s32 $0xFFFFFCF0  }
0x2c: {  	v0 =	vld [tilespmem:s21+$0x30]  }
0x2d: {  	v1 =	vld [tilespmem:s21+$0xFFFFFFD0]  }
0x2e: {  	v2 =	vld [tilespmem:s21+$0xFFFFFFE0]  }
0x2f: {  	v3 =	vld [tilespmem:s21+$0xFFFFFFF0]  }
0x30: {  	v5 =	vld [tilespmem:s21+$0x0]  }
0x31: {  	v6 =	vld [tilespmem:s21+$0x10]  }
0x32: {  	v7 =	vld [tilespmem:s21+$0x20]  }
0x33: {  	s18 =	simm.s32 $0xD40;
	v8 =	vld [tilespmem:s21+$0xFFFFFFC0]  }
0x34: {  	v11 =	vld [tilespmem:s18+$0x30]  }
0x35: {  	v14 =	vld [tilespmem:s18+$0xFFFFFFD0]  }
0x36: {  	v9 =	vld [tilespmem:s18+$0xFFFFFFE0]  }
0x37: {  	v10 =	vld.idx.msk [tilespmem:v0+s3+$0x0], $0xffff  }
0x38: {  	v12 =	vld.idx.msk [tilespmem:v1+s3+$0x0], $0xffff  }
0x39: {  	v4 =	vld.idx.msk [tilespmem:v2+s3+$0x0], $0xffff  }
0x3a: {  	v3 =	vld.idx.msk [tilespmem:v3+s3+$0x0], $0xffff  }
0x3b: {  	v13 =	vld.idx.msk [tilespmem:v8+s3+$0x0], $0xffff  }
0x3c: {  	v1 =	vld.idx.msk [tilespmem:v7+s3+$0x0], $0xffff  }
0x3d: {  	v7 =	vld [tilespmem:s18+$0xFFFFFFC0]  }
0x3e: {  	v2 =	vld.idx.msk [tilespmem:v5+s3+$0x0], $0xffff  }
0x3f: {  	v0 =	vld.idx.msk [tilespmem:v6+s3+$0x0], $0xffff  }
0x40: {  	v8 =	vld [tilespmem:s18+$0xFFFFFFF0]  }
0x41: {  	v6 =	vld [tilespmem:s18+$0x0];
	v10 =	vmul.f32 v11, v10  }
0x42: {  	s19 =	simm.s32 $0x19C0;
	v5 =	vld [tilespmem:s18+$0x10];
	v11 =	vmul.f32 v7, v13  }
0x43: {  	s20 =	simm.s32 $0x0;
	s21 =	simm.s32 $0x140;
	v7 =	vld [tilespmem:s18+$0x20];
	[tilespmem:s19+$0x30] =	vst v10;
	v10 =	vmul.f32 v14, v12  }
.LBB2_2:
0x44: {  	v12 =	vld [tilespmem:s21+$0x30];
	s20 =	sadd.s32 $0x80, s20;
	[tilespmem:s19+$0xFFFFFFC0] =	vst v11;
	v4 =	vmul.f32 v9, v4  }
0x45: {  	v9 =	vld [tilespmem:s21+$0xFFFFFFD0];
	p0 =	slt.u32 s20, $0x280;
	[tilespmem:s19+$0xFFFFFFD0] =	vst v10;
	v3 =	vmul.f32 v8, v3  }
0x46: {  	v8 =	vld [tilespmem:s21+$0xFFFFFFE0];
	[tilespmem:s19+$0xFFFFFFE0] =	vst v4;
	v2 =	vmul.f32 v6, v2  }
0x47: {  	v6 =	vld [tilespmem:s21+$0xFFFFFFF0];
	[tilespmem:s19+$0xFFFFFFF0] =	vst v3;
	v0 =	vmul.f32 v5, v0  }
0x48: {  	v5 =	vld [tilespmem:s21+$0x0];
	[tilespmem:s19+$0x0] =	vst v2;
	v1 =	vmul.f32 v7, v1  }
0x49: {  	v7 =	vld [tilespmem:s21+$0x10];
	[tilespmem:s19+$0x10] =	vst v0  }
0x4a: {  	v10 =	vld [tilespmem:s21+$0x20];
	[tilespmem:s19+$0x20] =	vst v1  }
0x4b: {  	v1 =	vld [tilespmem:s21+$0xFFFFFFC0]  }
0x4c: {  	s18 =	sadd.s32 $0x80, s18;
	v11 =	vld.idx.msk [tilespmem:v12+s3+$0x0], $0xffff  }
0x4d: {  	v12 =	vld [tilespmem:s18+$0x30]  }
0x4e: {  	v13 =	vld.idx.msk [tilespmem:v9+s3+$0x0], $0xffff  }
0x4f: {  	v4 =	vld.idx.msk [tilespmem:v8+s3+$0x0], $0xffff  }
0x50: {  	v3 =	vld.idx.msk [tilespmem:v6+s3+$0x0], $0xffff  }
0x51: {  	v2 =	vld.idx.msk [tilespmem:v5+s3+$0x0], $0xffff  }
0x52: {  	v0 =	vld.idx.msk [tilespmem:v7+s3+$0x0], $0xffff;
	v5 =	vmul.f32 v12, v11  }
0x53: {  	s19 =	sadd.s32 $0x80, s19;
	v7 =	vld.idx.msk [tilespmem:v1+s3+$0x0], $0xffff  }
0x54: {  	v1 =	vld.idx.msk [tilespmem:v10+s3+$0x0], $0xffff;
	[tilespmem:s19+$0x30] =	vst v5  }
0x55: {  	v5 =	vld [tilespmem:s18+$0xFFFFFFC0]  }
0x56: {  	v10 =	vld [tilespmem:s18+$0xFFFFFFD0]  }
.Ltmp0:
0x57: {  	v9 =	vld [tilespmem:s18+$0xFFFFFFE0];
	(pc) =	sbr.rel @p0 .LBB2_2-.Ltmp0, $4  }
0x58: {  	v8 =	vld [tilespmem:s18+$0xFFFFFFF0]  }
0x59: {  	v6 =	vld [tilespmem:s18+$0x0]  }
0x5a: {  	v11 =	vmul.f32 v5, v7;
	v5 =	vld [tilespmem:s18+$0x10]  }
0x5b: {  	s21 =	sadd.s32 $0x80, s21;
	v10 =	vmul.f32 v10, v13;
	v7 =	vld [tilespmem:s18+$0x20]  }
0x5c: {  	[tilespmem:s19+$0xFFFFFFC0] =	vst v11;
	v4 =	vmul.f32 v9, v4  }
0x5d: {  	[tilespmem:s19+$0xFFFFFFD0] =	vst v10;
	v3 =	vmul.f32 v8, v3  }
0x5e: {  	[tilespmem:s19+$0xFFFFFFE0] =	vst v4;
	v2 =	vmul.f32 v6, v2  }
0x5f: {  	[tilespmem:s19+$0xFFFFFFF0] =	vst v3;
	v0 =	vmul.f32 v5, v0  }
0x60: {  	[tilespmem:s19+$0x0] =	vst v2;
	v1 =	vmul.f32 v7, v1  }
0x61: {  	[tilespmem:s19+$0x10] =	vst v0  }
0x62: {  	[tilespmem:s19+$0x20] =	vst v1  }
0x63: {  	v0 =	vld [tilespmem:$0x380];
	_ =	sdelay $0x6  }
0x64: {  	v1 =	vld [tilespmem:$0x1000]  }
0x65: {  	v0 =	vld.idx.msk [tilespmem:v0+s3+$0x0], $0xffff;
	_ =	sdelay $0x4  }
0x66: {  	v0 =	vmul.f32 v1, v0;
	_ =	sdelay $0x1  }
0x67: {  	[tilespmem:$0x1C80] =	vst v0  }
0x68: {  	[hbm4b:s12+s3] =	stream.linear.scatter [tilespmem:s26], [sflag:$0x5], $0x310, $0x38;
	[tilespmem:$0x2600] =	vst v63  }
0x69: {  	_ =	swait.ge [sflag:s28], $0x310  }
0x6a: {  	[sflag:s28] =	ssyncset.done $0x0  }
0x6b: {  	[sflag:s28] =	ssyncadd.s32 $0xFFFFFCF0  }
0x6c: {  	_ =	swait.ge [sflag:s28], $0x310  }
0x6d: {  	[sflag:s28] =	ssyncset.done $0x0  }
0x6e: {  	s18 =	simm.s32 $0x400;
	[sflag:s28] =	ssyncadd.s32 $0xFFFFFCF0  }
0x6f: {  	v0 =	vld [tilespmem:s18+$0x0]  }
0x70: {  	v1 =	vld [tilespmem:s18+$0xFFFFFFA0]  }
0x71: {  	v2 =	vld [tilespmem:s18+$0xFFFFFFB0]  }
0x72: {  	v3 =	vld [tilespmem:s18+$0xFFFFFFC0]  }
0x73: {  	v5 =	vld [tilespmem:s18+$0xFFFFFFD0]  }
0x74: {  	v6 =	vld [tilespmem:s18+$0xFFFFFFE0]  }
0x75: {  	v7 =	vld [tilespmem:s18+$0xFFFFFFF0]  }
0x76: {  	v8 =	vld [tilespmem:s18+$0xFFFFFF90];
	s18 =	simm.s32 $0x1080  }
0x77: {  	v11 =	vld [tilespmem:s18+$0x0]  }
0x78: {  	v14 =	vld [tilespmem:s18+$0xFFFFFFA0]  }
0x79: {  	v9 =	vld [tilespmem:s18+$0xFFFFFFB0]  }
0x7a: {  	v10 =	vld.idx.msk [tilespmem:v0+s3+$0x0], $0xffff  }
0x7b: {  	v12 =	vld.idx.msk [tilespmem:v1+s3+$0x0], $0xffff  }
0x7c: {  	v4 =	vld.idx.msk [tilespmem:v2+s3+$0x0], $0xffff  }
0x7d: {  	v3 =	vld.idx.msk [tilespmem:v3+s3+$0x0], $0xffff  }
0x7e: {  	v13 =	vld.idx.msk [tilespmem:v8+s3+$0x0], $0xffff  }
0x7f: {  	v1 =	vld.idx.msk [tilespmem:v7+s3+$0x0], $0xffff  }
0x80: {  	v7 =	vld [tilespmem:s18+$0xFFFFFF90]  }
0x81: {  	v2 =	vld.idx.msk [tilespmem:v5+s3+$0x0], $0xffff  }
0x82: {  	v0 =	vld.idx.msk [tilespmem:v6+s3+$0x0], $0xffff  }
0x83: {  	v8 =	vld [tilespmem:s18+$0xFFFFFFC0]  }
0x84: {  	v6 =	vld [tilespmem:s18+$0xFFFFFFD0];
	v10 =	vmul.f32 v11, v10  }
0x85: {  	s19 =	simm.s32 $0x1D00;
	v5 =	vld [tilespmem:s18+$0xFFFFFFE0];
	v11 =	vmul.f32 v7, v13  }
0x86: {  	s20 =	simm.s32 $0x310;
	s21 =	simm.s32 $0x480;
	v7 =	vld [tilespmem:s18+$0xFFFFFFF0];
	[tilespmem:s19+$0x0] =	vst v10;
	v10 =	vmul.f32 v14, v12  }
.LBB2_4:
0x87: {  	v12 =	vld [tilespmem:s21+$0x0];
	s20 =	sadd.s32 $0x80, s20;
	[tilespmem:s19+$0xFFFFFF90] =	vst v11;
	v4 =	vmul.f32 v9, v4  }
0x88: {  	v9 =	vld [tilespmem:s21+$0xFFFFFFA0];
	p0 =	slt.u32 s20, $0x590;
	[tilespmem:s19+$0xFFFFFFA0] =	vst v10;
	v3 =	vmul.f32 v8, v3  }
0x89: {  	v8 =	vld [tilespmem:s21+$0xFFFFFFB0];
	[tilespmem:s19+$0xFFFFFFB0] =	vst v4;
	v2 =	vmul.f32 v6, v2  }
0x8a: {  	v6 =	vld [tilespmem:s21+$0xFFFFFFC0];
	[tilespmem:s19+$0xFFFFFFC0] =	vst v3;
	v0 =	vmul.f32 v5, v0  }
0x8b: {  	v5 =	vld [tilespmem:s21+$0xFFFFFFD0];
	[tilespmem:s19+$0xFFFFFFD0] =	vst v2;
	v1 =	vmul.f32 v7, v1  }
0x8c: {  	v7 =	vld [tilespmem:s21+$0xFFFFFFE0];
	[tilespmem:s19+$0xFFFFFFE0] =	vst v0  }
0x8d: {  	v10 =	vld [tilespmem:s21+$0xFFFFFFF0];
	[tilespmem:s19+$0xFFFFFFF0] =	vst v1  }
0x8e: {  	v1 =	vld [tilespmem:s21+$0xFFFFFF90]  }
0x8f: {  	s18 =	sadd.s32 $0x80, s18;
	v11 =	vld.idx.msk [tilespmem:v12+s3+$0x0], $0xffff  }
0x90: {  	v12 =	vld [tilespmem:s18+$0x0]  }
0x91: {  	v13 =	vld.idx.msk [tilespmem:v9+s3+$0x0], $0xffff  }
0x92: {  	v4 =	vld.idx.msk [tilespmem:v8+s3+$0x0], $0xffff  }
0x93: {  	v3 =	vld.idx.msk [tilespmem:v6+s3+$0x0], $0xffff  }
0x94: {  	v2 =	vld.idx.msk [tilespmem:v5+s3+$0x0], $0xffff  }
0x95: {  	v0 =	vld.idx.msk [tilespmem:v7+s3+$0x0], $0xffff;
	v5 =	vmul.f32 v12, v11  }
0x96: {  	s19 =	sadd.s32 $0x80, s19;
	v7 =	vld.idx.msk [tilespmem:v1+s3+$0x0], $0xffff  }
0x97: {  	v1 =	vld.idx.msk [tilespmem:v10+s3+$0x0], $0xffff;
	[tilespmem:s19+$0x0] =	vst v5  }
0x98: {  	v5 =	vld [tilespmem:s18+$0xFFFFFF90]  }
0x99: {  	v10 =	vld [tilespmem:s18+$0xFFFFFFA0]  }
.Ltmp1:
0x9a: {  	v9 =	vld [tilespmem:s18+$0xFFFFFFB0];
	(pc) =	sbr.rel @p0 .LBB2_4-.Ltmp1, $4  }
0x9b: {  	v8 =	vld [tilespmem:s18+$0xFFFFFFC0]  }
0x9c: {  	v6 =	vld [tilespmem:s18+$0xFFFFFFD0]  }
0x9d: {  	v11 =	vmul.f32 v5, v7;
	v5 =	vld [tilespmem:s18+$0xFFFFFFE0]  }
0x9e: {  	s21 =	sadd.s32 $0x80, s21;
	v10 =	vmul.f32 v10, v13;
	v7 =	vld [tilespmem:s18+$0xFFFFFFF0]  }
0x9f: {  	[tilespmem:s19+$0xFFFFFF90] =	vst v11;
	v4 =	vmul.f32 v9, v4  }
0xa0: {  	[tilespmem:s19+$0xFFFFFFA0] =	vst v10;
	v3 =	vmul.f32 v8, v3  }
0xa1: {  	[tilespmem:s19+$0xFFFFFFB0] =	vst v4;
	v2 =	vmul.f32 v6, v2  }
0xa2: {  	[tilespmem:s19+$0xFFFFFFC0] =	vst v3;
	v0 =	vmul.f32 v5, v0  }
0xa3: {  	[tilespmem:s19+$0xFFFFFFD0] =	vst v2;
	v1 =	vmul.f32 v7, v1  }
0xa4: {  	[tilespmem:s19+$0xFFFFFFE0] =	vst v0  }
0xa5: {  	[tilespmem:s19+$0xFFFFFFF0] =	vst v1  }
0xa6: {  	v0 =	vld [tilespmem:$0x690];
	_ =	sdelay $0x6  }
0xa7: {  	v1 =	vld [tilespmem:$0x1310]  }
0xa8: {  	v0 =	vld.idx.msk [tilespmem:v0+s3+$0x0], $0xffff;
	_ =	sdelay $0x4  }
0xa9: {  	v0 =	vmul.f32 v1, v0;
	_ =	sdelay $0x1  }
0xaa: {  	[tilespmem:$0x1F90] =	vst v0  }
0xab: {  	[hbm4b:s13+s3] =	stream.linear.scatter [tilespmem:s29], [sflag:$0x5], $0x310, $0x38;
	[tilespmem:$0x2600] =	vst v63  }
0xac: {  	_ =	swait.ge [sflag:s30], $0x310  }
0xad: {  	[sflag:s30] =	ssyncset.done $0x0  }
0xae: {  	[sflag:s30] =	ssyncadd.s32 $0xFFFFFCF0  }
0xaf: {  	_ =	swait.ge [sflag:s30], $0x310  }
0xb0: {  	[sflag:s30] =	ssyncset.done $0x0  }
0xb1: {  	s18 =	simm.s32 $0x710;
	[sflag:s30] =	ssyncadd.s32 $0xFFFFFCF0  }
0xb2: {  	v0 =	vld [tilespmem:s18+$0x0]  }
0xb3: {  	v1 =	vld [tilespmem:s18+$0xFFFFFFA0]  }
0xb4: {  	v2 =	vld [tilespmem:s18+$0xFFFFFFB0]  }
0xb5: {  	v3 =	vld [tilespmem:s18+$0xFFFFFFC0]  }
0xb6: {  	v5 =	vld [tilespmem:s18+$0xFFFFFFD0]  }
0xb7: {  	v6 =	vld [tilespmem:s18+$0xFFFFFFE0]  }
0xb8: {  	v7 =	vld [tilespmem:s18+$0xFFFFFFF0]  }
0xb9: {  	v8 =	vld [tilespmem:s18+$0xFFFFFF90];
	s18 =	simm.s32 $0x1390  }
0xba: {  	v11 =	vld [tilespmem:s18+$0x0]  }
0xbb: {  	v14 =	vld [tilespmem:s18+$0xFFFFFFA0]  }
0xbc: {  	v9 =	vld [tilespmem:s18+$0xFFFFFFB0]  }
0xbd: {  	v10 =	vld.idx.msk [tilespmem:v0+s3+$0x0], $0xffff  }
0xbe: {  	v12 =	vld.idx.msk [tilespmem:v1+s3+$0x0], $0xffff  }
0xbf: {  	v4 =	vld.idx.msk [tilespmem:v2+s3+$0x0], $0xffff  }
0xc0: {  	v3 =	vld.idx.msk [tilespmem:v3+s3+$0x0], $0xffff  }
0xc1: {  	v13 =	vld.idx.msk [tilespmem:v8+s3+$0x0], $0xffff  }
0xc2: {  	v1 =	vld.idx.msk [tilespmem:v7+s3+$0x0], $0xffff  }
0xc3: {  	v7 =	vld [tilespmem:s18+$0xFFFFFF90]  }
0xc4: {  	v2 =	vld.idx.msk [tilespmem:v5+s3+$0x0], $0xffff  }
0xc5: {  	v0 =	vld.idx.msk [tilespmem:v6+s3+$0x0], $0xffff  }
0xc6: {  	v8 =	vld [tilespmem:s18+$0xFFFFFFC0]  }
0xc7: {  	v6 =	vld [tilespmem:s18+$0xFFFFFFD0];
	v10 =	vmul.f32 v11, v10  }
0xc8: {  	s19 =	simm.s32 $0x2010;
	v5 =	vld [tilespmem:s18+$0xFFFFFFE0];
	v11 =	vmul.f32 v7, v13  }
0xc9: {  	s20 =	simm.s32 $0x620;
	s21 =	simm.s32 $0x790;
	v7 =	vld [tilespmem:s18+$0xFFFFFFF0];
	[tilespmem:s19+$0x0] =	vst v10;
	v10 =	vmul.f32 v14, v12  }
.LBB2_6:
0xca: {  	v12 =	vld [tilespmem:s21+$0x0];
	s20 =	sadd.s32 $0x80, s20;
	[tilespmem:s19+$0xFFFFFF90] =	vst v11;
	v4 =	vmul.f32 v9, v4  }
0xcb: {  	v9 =	vld [tilespmem:s21+$0xFFFFFFA0];
	p0 =	slt.u32 s20, $0x8A0;
	[tilespmem:s19+$0xFFFFFFA0] =	vst v10;
	v3 =	vmul.f32 v8, v3  }
0xcc: {  	v8 =	vld [tilespmem:s21+$0xFFFFFFB0];
	[tilespmem:s19+$0xFFFFFFB0] =	vst v4;
	v2 =	vmul.f32 v6, v2  }
0xcd: {  	v6 =	vld [tilespmem:s21+$0xFFFFFFC0];
	[tilespmem:s19+$0xFFFFFFC0] =	vst v3;
	v0 =	vmul.f32 v5, v0  }
0xce: {  	v5 =	vld [tilespmem:s21+$0xFFFFFFD0];
	[tilespmem:s19+$0xFFFFFFD0] =	vst v2;
	v1 =	vmul.f32 v7, v1  }
0xcf: {  	v7 =	vld [tilespmem:s21+$0xFFFFFFE0];
	[tilespmem:s19+$0xFFFFFFE0] =	vst v0  }
0xd0: {  	v10 =	vld [tilespmem:s21+$0xFFFFFFF0];
	[tilespmem:s19+$0xFFFFFFF0] =	vst v1  }
0xd1: {  	v1 =	vld [tilespmem:s21+$0xFFFFFF90]  }
0xd2: {  	s18 =	sadd.s32 $0x80, s18;
	v11 =	vld.idx.msk [tilespmem:v12+s3+$0x0], $0xffff  }
0xd3: {  	v12 =	vld [tilespmem:s18+$0x0]  }
0xd4: {  	v13 =	vld.idx.msk [tilespmem:v9+s3+$0x0], $0xffff  }
0xd5: {  	v4 =	vld.idx.msk [tilespmem:v8+s3+$0x0], $0xffff  }
0xd6: {  	v3 =	vld.idx.msk [tilespmem:v6+s3+$0x0], $0xffff  }
0xd7: {  	v2 =	vld.idx.msk [tilespmem:v5+s3+$0x0], $0xffff  }
0xd8: {  	v0 =	vld.idx.msk [tilespmem:v7+s3+$0x0], $0xffff;
	v5 =	vmul.f32 v12, v11  }
0xd9: {  	s19 =	sadd.s32 $0x80, s19;
	v7 =	vld.idx.msk [tilespmem:v1+s3+$0x0], $0xffff  }
0xda: {  	v1 =	vld.idx.msk [tilespmem:v10+s3+$0x0], $0xffff;
	[tilespmem:s19+$0x0] =	vst v5  }
0xdb: {  	v5 =	vld [tilespmem:s18+$0xFFFFFF90]  }
0xdc: {  	v10 =	vld [tilespmem:s18+$0xFFFFFFA0]  }
.Ltmp2:
0xdd: {  	v9 =	vld [tilespmem:s18+$0xFFFFFFB0];
	(pc) =	sbr.rel @p0 .LBB2_6-.Ltmp2, $4  }
0xde: {  	v8 =	vld [tilespmem:s18+$0xFFFFFFC0]  }
0xdf: {  	v6 =	vld [tilespmem:s18+$0xFFFFFFD0]  }
0xe0: {  	v11 =	vmul.f32 v5, v7;
	v5 =	vld [tilespmem:s18+$0xFFFFFFE0]  }
0xe1: {  	s21 =	sadd.s32 $0x80, s21;
	v10 =	vmul.f32 v10, v13;
	v7 =	vld [tilespmem:s18+$0xFFFFFFF0]  }
0xe2: {  	[tilespmem:s19+$0xFFFFFF90] =	vst v11;
	v4 =	vmul.f32 v9, v4  }
0xe3: {  	[tilespmem:s19+$0xFFFFFFA0] =	vst v10;
	v3 =	vmul.f32 v8, v3  }
0xe4: {  	[tilespmem:s19+$0xFFFFFFB0] =	vst v4;
	v2 =	vmul.f32 v6, v2  }
0xe5: {  	[tilespmem:s19+$0xFFFFFFC0] =	vst v3;
	v0 =	vmul.f32 v5, v0  }
0xe6: {  	[tilespmem:s19+$0xFFFFFFD0] =	vst v2;
	v1 =	vmul.f32 v7, v1  }
0xe7: {  	[tilespmem:s19+$0xFFFFFFE0] =	vst v0  }
0xe8: {  	[tilespmem:s19+$0xFFFFFFF0] =	vst v1  }
0xe9: {  	v0 =	vld [tilespmem:$0x9A0];
	_ =	sdelay $0x6  }
0xea: {  	v1 =	vld [tilespmem:$0x1620]  }
0xeb: {  	v0 =	vld.idx.msk [tilespmem:v0+s3+$0x0], $0xffff;
	_ =	sdelay $0x4  }
0xec: {  	v0 =	vmul.f32 v1, v0;
	_ =	sdelay $0x1  }
0xed: {  	[tilespmem:$0x22A0] =	vst v0  }
0xee: {  	[hbm4b:s14+s3] =	stream.linear.scatter [tilespmem:s31], [sflag:$0x5], $0x310, $0x38;
	[tilespmem:$0x2600] =	vst v63  }
0xef: {  	_ =	swait.ge [sflag:s1], $0x310  }
0xf0: {  	[sflag:s1] =	ssyncset.done $0x0  }
0xf1: {  	[sflag:s1] =	ssyncadd.s32 $0xFFFFFCF0  }
0xf2: {  	_ =	swait.ge [sflag:s1], $0x310  }
0xf3: {  	[sflag:s1] =	ssyncset.done $0x0  }
0xf4: {  	s18 =	simm.s32 $0xA20;
	[sflag:s1] =	ssyncadd.s32 $0xFFFFFCF0  }
0xf5: {  	v0 =	vld [tilespmem:s18+$0x0]  }
0xf6: {  	v1 =	vld [tilespmem:s18+$0xFFFFFFA0]  }
0xf7: {  	v2 =	vld [tilespmem:s18+$0xFFFFFFB0]  }
0xf8: {  	v3 =	vld [tilespmem:s18+$0xFFFFFFC0]  }
0xf9: {  	v5 =	vld [tilespmem:s18+$0xFFFFFFD0]  }
0xfa: {  	v6 =	vld [tilespmem:s18+$0xFFFFFFE0]  }
0xfb: {  	v7 =	vld [tilespmem:s18+$0xFFFFFFF0]  }
0xfc: {  	v8 =	vld [tilespmem:s18+$0xFFFFFF90];
	s18 =	simm.s32 $0x16A0  }
0xfd: {  	v11 =	vld [tilespmem:s18+$0x0]  }
0xfe: {  	v14 =	vld [tilespmem:s18+$0xFFFFFFA0]  }
0xff: {  	v9 =	vld [tilespmem:s18+$0xFFFFFFB0]  }
0x100: {  	v10 =	vld.idx.msk [tilespmem:v0+s3+$0x0], $0xffff  }
0x101: {  	v12 =	vld.idx.msk [tilespmem:v1+s3+$0x0], $0xffff  }
0x102: {  	v4 =	vld.idx.msk [tilespmem:v2+s3+$0x0], $0xffff  }
0x103: {  	v3 =	vld.idx.msk [tilespmem:v3+s3+$0x0], $0xffff  }
0x104: {  	v13 =	vld.idx.msk [tilespmem:v8+s3+$0x0], $0xffff  }
0x105: {  	v1 =	vld.idx.msk [tilespmem:v7+s3+$0x0], $0xffff  }
0x106: {  	v7 =	vld [tilespmem:s18+$0xFFFFFF90]  }
0x107: {  	v2 =	vld.idx.msk [tilespmem:v5+s3+$0x0], $0xffff  }
0x108: {  	v0 =	vld.idx.msk [tilespmem:v6+s3+$0x0], $0xffff  }
0x109: {  	v8 =	vld [tilespmem:s18+$0xFFFFFFC0]  }
0x10a: {  	v6 =	vld [tilespmem:s18+$0xFFFFFFD0];
	v10 =	vmul.f32 v11, v10  }
0x10b: {  	s19 =	simm.s32 $0x2320;
	v5 =	vld [tilespmem:s18+$0xFFFFFFE0];
	v11 =	vmul.f32 v7, v13  }
0x10c: {  	s20 =	simm.s32 $0x930;
	s21 =	simm.s32 $0xAA0;
	v7 =	vld [tilespmem:s18+$0xFFFFFFF0];
	[tilespmem:s19+$0x0] =	vst v10;
	v10 =	vmul.f32 v14, v12  }
.LBB2_8:
0x10d: {  	v12 =	vld [tilespmem:s21+$0x0];
	s20 =	sadd.s32 $0x80, s20;
	[tilespmem:s19+$0xFFFFFF90] =	vst v11;
	v4 =	vmul.f32 v9, v4  }
0x10e: {  	v9 =	vld [tilespmem:s21+$0xFFFFFFA0];
	p0 =	slt.u32 s20, $0xBB0;
	[tilespmem:s19+$0xFFFFFFA0] =	vst v10;
	v3 =	vmul.f32 v8, v3  }
0x10f: {  	v8 =	vld [tilespmem:s21+$0xFFFFFFB0];
	[tilespmem:s19+$0xFFFFFFB0] =	vst v4;
	v2 =	vmul.f32 v6, v2  }
0x110: {  	v6 =	vld [tilespmem:s21+$0xFFFFFFC0];
	[tilespmem:s19+$0xFFFFFFC0] =	vst v3;
	v0 =	vmul.f32 v5, v0  }
0x111: {  	v5 =	vld [tilespmem:s21+$0xFFFFFFD0];
	[tilespmem:s19+$0xFFFFFFD0] =	vst v2;
	v1 =	vmul.f32 v7, v1  }
0x112: {  	v7 =	vld [tilespmem:s21+$0xFFFFFFE0];
	[tilespmem:s19+$0xFFFFFFE0] =	vst v0  }
0x113: {  	v10 =	vld [tilespmem:s21+$0xFFFFFFF0];
	[tilespmem:s19+$0xFFFFFFF0] =	vst v1  }
0x114: {  	v1 =	vld [tilespmem:s21+$0xFFFFFF90]  }
0x115: {  	s18 =	sadd.s32 $0x80, s18;
	v11 =	vld.idx.msk [tilespmem:v12+s3+$0x0], $0xffff  }
0x116: {  	v12 =	vld [tilespmem:s18+$0x0]  }
0x117: {  	v13 =	vld.idx.msk [tilespmem:v9+s3+$0x0], $0xffff  }
0x118: {  	v4 =	vld.idx.msk [tilespmem:v8+s3+$0x0], $0xffff  }
0x119: {  	v3 =	vld.idx.msk [tilespmem:v6+s3+$0x0], $0xffff  }
0x11a: {  	v2 =	vld.idx.msk [tilespmem:v5+s3+$0x0], $0xffff  }
0x11b: {  	v0 =	vld.idx.msk [tilespmem:v7+s3+$0x0], $0xffff;
	v5 =	vmul.f32 v12, v11  }
0x11c: {  	s19 =	sadd.s32 $0x80, s19;
	v7 =	vld.idx.msk [tilespmem:v1+s3+$0x0], $0xffff  }
0x11d: {  	v1 =	vld.idx.msk [tilespmem:v10+s3+$0x0], $0xffff;
	[tilespmem:s19+$0x0] =	vst v5  }
0x11e: {  	v5 =	vld [tilespmem:s18+$0xFFFFFF90]  }
0x11f: {  	v10 =	vld [tilespmem:s18+$0xFFFFFFA0]  }
.Ltmp3:
0x120: {  	v9 =	vld [tilespmem:s18+$0xFFFFFFB0];
	(pc) =	sbr.rel @p0 .LBB2_8-.Ltmp3, $4  }
0x121: {  	v8 =	vld [tilespmem:s18+$0xFFFFFFC0]  }
0x122: {  	v6 =	vld [tilespmem:s18+$0xFFFFFFD0]  }
0x123: {  	v11 =	vmul.f32 v5, v7;
	v5 =	vld [tilespmem:s18+$0xFFFFFFE0]  }
0x124: {  	s21 =	sadd.s32 $0x80, s21;
	v10 =	vmul.f32 v10, v13;
	v7 =	vld [tilespmem:s18+$0xFFFFFFF0]  }
0x125: {  	[tilespmem:s19+$0xFFFFFF90] =	vst v11;
	v4 =	vmul.f32 v9, v4  }
0x126: {  	[tilespmem:s19+$0xFFFFFFA0] =	vst v10;
	v3 =	vmul.f32 v8, v3  }
0x127: {  	[tilespmem:s19+$0xFFFFFFB0] =	vst v4;
	v2 =	vmul.f32 v6, v2  }
0x128: {  	[tilespmem:s19+$0xFFFFFFC0] =	vst v3;
	v0 =	vmul.f32 v5, v0  }
0x129: {  	[tilespmem:s19+$0xFFFFFFD0] =	vst v2;
	v1 =	vmul.f32 v7, v1  }
0x12a: {  	[tilespmem:s19+$0xFFFFFFE0] =	vst v0  }
0x12b: {  	[tilespmem:s19+$0xFFFFFFF0] =	vst v1  }
0x12c: {  	v0 =	vld [tilespmem:$0xCB0];
	_ =	sdelay $0x6  }
0x12d: {  	v1 =	vld [tilespmem:$0x1930]  }
0x12e: {  	v0 =	vld.idx.msk [tilespmem:v0+s3+$0x0], $0xffff;
	_ =	sdelay $0x4  }
0x12f: {  	v0 =	vmul.f32 v1, v0;
	_ =	sdelay $0x1  }
0x130: {  	[tilespmem:$0x25B0] =	vst v0  }
0x131: {  	[hbm4b:s15+s3] =	stream.linear.scatter [tilespmem:s0], [sflag:$0x5], $0x310, $0x38;
	[tilespmem:$0x2600] =	vst v63  }
0x132: {  	_ =	swait.ge [sflag:s2], $0x310  }
0x133: {  	[sflag:s2] =	ssyncset.done $0x0  }
0x134: {  	[sflag:s2] =	ssyncadd.s32 $0xFFFFFCF0  }
0x135: {  	_ =	swait.ge [sflag:s2], $0x310  }
0x136: {  	[sflag:s2] =	ssyncset.done $0x0  }
0x137: {  	s17 =	sadd.s32 $0x1, s17;
	[sflag:s2] =	ssyncadd.s32 $0xFFFFFCF0  }
0x138: {  	p0 =	sne.s32 s17, s16;
	_ =	swait.ge [sflag:s2], $0x310  }
.Ltmp4:
0x139: {  	[sflag:s2] =	ssyncset.done $0x0;
	(pc) =	sbr.rel @p0 .LBB2_1-.Ltmp4, $4  }
0x13a: {  	[sflag:s2] =	ssyncadd.s32 $0xFFFFFCF0  }
0x13b: {  	_ =	swait.ge [sflag:s2], $0x310  }
0x13c: {  	[sflag:s2] =	ssyncset.done $0x0  }
0x13d: {  	[sflag:s2] =	ssyncadd.s32 $0xFFFFFCF0  }
0x13e: {  	_ =	sfence.sel $0x180000  }
0x13f: {  	[bflag:$0x0] =	sbarrier.arrive $0xFFFF  }
0x140: {  	_ =	strace $0x90000047  }
0x141: {  	s0 =	stileid.u32;
	[bflag:$0x2] =	sbarrier.arrive $0xFFFF  }
0x142: {  	p0 =	sne.s32 s0, $0x0;
	s0 =	rddreg [dreg:$0x4]  }
0x143: {  	s0 =	sadd.s32 @!p0 $0x100000, s0  }
0x144: {  	[sflag:s0] =	ssyncadd.tile.s32 @!p0 $0x1;
	_ =	shalt  }
.Lfunc_end2:
_tile_overlayer_lowered:
.L_overlay_start_2:
0x145: {  	(tag) =	ssettag $0x2  }
0x146: {  	s0 =	rddreg [dreg:$0x0];
	s2 =	stileid.u32  }
0x147: {  	s1 =	rddreg [dreg:$0x1];
	p0 =	sne.s32 s2, $0x0  }
0x148: {  	s3 =	rddreg [dreg:$0x2];
	[bflag:$0x3] =	sbarrier.arrive $0xFFFF;
	s2 =	simm.s32 @!p0 $0x1C06  }
0x149: {  	[timem:s3], [sflag:s2] =	dma.local @!p0 [hbm:s0], s1  }
0x14a: {  	s0 =	simm.s32 @!p0 $0x6  }
0x14b: {  	_ =	swait.ge @!p0 [sflag:s0], s1  }
0x14c: {  	s1 =	ssub.s32 @!p0 $0x0, s1;
	[sflag:s0] =	ssyncset.done @!p0 $0x0  }
0x14d: {  	[sflag:s0] =	ssyncadd.s32 @!p0 s1  }
0x14e: {  	[bflag:$0x3] =	sbarrier.arrive $0xFFFF  }
0x14f: {  	_ =	shalt  }

</sc_bundles>
